<compile_context>
chip_gen: v7x
topology: tpu7x:2x2x1
jax: 0.10.2.dev20260603
libtpu: 0.0.44.dev20260713+nightly
codegen_flags: <defaults>
</compile_context>

<pallas_src>
import functools

import jax
import jax.numpy as jnp
from jax import lax
from jax.experimental import pallas as pl
from jax.experimental.pallas import tpu as pltpu
from jax.experimental.pallas import tpu_sc as plsc

_N = 10000
_NP = 10240
_H = 128
_OUT = 32
_R = 4
_NB = 2
_E = 160000
_NCORES = 2
_NSUB = 16
_NW = _NCORES * _NSUB
_EPW = 5120
_ECH = 128
_NCH = _EPW // _ECH
_RPT = _NP // _NSUB
_IPW = _NP // _NW
_ICH = 80
_INCH = _IPW // _ICH

_mesh = plsc.VectorSubcoreMesh(core_axis_name="c", subcore_axis_name="s")


@functools.partial(
    pl.kernel, mesh=_mesh,
    out_type=jax.ShapeDtypeStruct((_NP, _H), jnp.float32),
    scratch_types=[
        pltpu.VMEM((_INCH, _ICH), jnp.int32),
        pltpu.VMEM((_ICH, _H), jnp.float32),
        pltpu.SemaphoreType.DMA,
    ],
)
def _emb(table_hbm, idx_hbm, out_hbm, idx_v, rows_v, sem):
    c = lax.axis_index("c")
    s = lax.axis_index("s")
    w = c * _NSUB + s
    pltpu.sync_copy(idx_hbm.at[w], idx_v)
    for j in range(_INCH):
        pltpu.async_copy(table_hbm.at[idx_v.at[j]], rows_v, sem).wait()
        pltpu.sync_copy(rows_v, out_hbm.at[pl.ds(w * _IPW + j * _ICH, _ICH)])


_K = 2
_NG = _NCH // _K


def _make_gsa(F):
    @functools.partial(
        pl.kernel, mesh=_mesh,
        out_type=jax.ShapeDtypeStruct((_NCORES, _NP, F), jnp.float32),
        scratch_types=[
            pltpu.VMEM((_NCH, _ECH), jnp.int32),
            pltpu.VMEM((_NCH, _ECH), jnp.int32),
            pltpu.VMEM_SHARED((_NP, F), jnp.float32),
        ]
        + [pltpu.VMEM((_ECH, F), jnp.float32) for _ in range(_K)]
        + [pltpu.SemaphoreType.DMA for _ in range(2 * _K)],
    )
    def gsa(hw_hbm, gidx_hbm, didx_hbm, zeros_hbm, out_hbm,
            gidx_v, didx_v, acc_shared, *bufs_and_sems):
        rows = bufs_and_sems[:_K]
        gsem = bufs_and_sems[_K:2 * _K]
        ssem = bufs_and_sems[2 * _K:3 * _K]
        c = lax.axis_index("c")
        s = lax.axis_index("s")
        w = c * _NSUB + s
        pltpu.sync_copy(zeros_hbm.at[pl.ds(s * _RPT, _RPT)],
                        acc_shared.at[pl.ds(s * _RPT, _RPT)])
        pltpu.sync_copy(gidx_hbm.at[w], gidx_v)
        pltpu.sync_copy(didx_hbm.at[w], didx_v)
        plsc.subcore_barrier()

        for b in range(_K):
            pltpu.async_copy(hw_hbm.at[gidx_v.at[b]], rows[b], gsem[b])

        def group(i, carry):
            for b in range(_K):
                pltpu.make_async_copy(
                    hw_hbm.at[gidx_v.at[0]], rows[b], gsem[b]).wait()
                pltpu.async_copy(rows[b], acc_shared.at[didx_v.at[i * _K + b]],
                                 ssem[b], add=True)
            for b in range(_K):
                pltpu.make_async_copy(
                    rows[b], acc_shared.at[didx_v.at[0]], ssem[b]).wait()

                @pl.when(i + 1 < _NG)
                def _():
                    pltpu.async_copy(
                        hw_hbm.at[gidx_v.at[(i + 1) * _K + b]],
                        rows[b], gsem[b])
            return carry

        lax.fori_loop(0, _NG, group, 0)
        plsc.subcore_barrier()
        pltpu.sync_copy(acc_shared.at[pl.ds(s * _RPT, _RPT)],
                        out_hbm.at[c, pl.ds(s * _RPT, _RPT)])

    return gsa


_gsa128 = _make_gsa(_H)

_BN = 1024
_NBLK = _NP // _BN


def _tfirst_body(h_ref, w_ref, hw_ref):
    h = h_ref[...]
    for r in range(_R):
        hw_ref[r] = jnp.dot(h, w_ref[r], preferred_element_type=jnp.float32)


def _tfirst(h0, w):
    fo = w.shape[2]
    return pl.pallas_call(
        _tfirst_body,
        grid=(_NBLK,),
        in_specs=[
            pl.BlockSpec((_BN, _H), lambda i: (i, 0)),
            pl.BlockSpec((_R, _H, fo), lambda i: (0, 0, 0)),
        ],
        out_specs=pl.BlockSpec((_R, _BN, fo), lambda i: (0, i, 0)),
        out_shape=jax.ShapeDtypeStruct((_R, _NP, fo), jnp.float32),
    )(h0, w)


def _tmid_body(p_ref, w_ref, hw_ref):
    h = jnp.maximum(p_ref[0] + p_ref[1], 0.0)
    for r in range(_R):
        hw_ref[r] = jnp.dot(h, w_ref[r], preferred_element_type=jnp.float32)


def _tmid(p, w):
    fo = w.shape[2]
    return pl.pallas_call(
        _tmid_body,
        grid=(_NBLK,),
        in_specs=[
            pl.BlockSpec((_NCORES, _BN, _H), lambda i: (0, i, 0)),
            pl.BlockSpec((_R, _H, fo), lambda i: (0, 0, 0)),
        ],
        out_specs=pl.BlockSpec((_R, _BN, fo), lambda i: (0, i, 0)),
        out_shape=jax.ShapeDtypeStruct((_R, _NP, fo), jnp.float32),
    )(p, w)


def _softmax_body(p_ref, o_ref):
    x = p_ref[0][:, :_OUT] + p_ref[1][:, :_OUT]
    m = jnp.max(x, axis=1, keepdims=True)
    e = jnp.exp(x - m)
    o_ref[...] = e / jnp.sum(e, axis=1, keepdims=True)


def _softmax(p):
    return pl.pallas_call(
        _softmax_body,
        grid=(_NBLK,),
        in_specs=[pl.BlockSpec((_NCORES, _BN, _H), lambda i: (0, i, 0))],
        out_specs=pl.BlockSpec((_BN, _OUT), lambda i: (i, 0)),
        out_shape=jax.ShapeDtypeStruct((_NP, _OUT), jnp.float32),
    )(p)


def _basis(C, W, in_f, out_f):
    w = W.reshape(in_f, _NB, out_f)
    w = jnp.matmul(C, w)
    return w.reshape(_R, in_f, out_f)


def kernel(all_class_names, node_states, all_edge_ids, all_edge_types,
           mask_nodes, mask_edges, feat_in, W0, C0, W1, C1, W2, C2):
    ids = all_class_names[0].astype(jnp.int32)
    src = all_edge_ids[0, :, 0].astype(jnp.int32)
    dst = all_edge_ids[0, :, 1].astype(jnp.int32)
    rel = all_edge_types[0].astype(jnp.int32)

    ids_p = jnp.pad(ids, (0, _NP - _N)).reshape(_NW, _INCH, _ICH)
    epw0 = _E // _NW
    gidx = (rel * _NP + src).reshape(_NW, epw0)
    gidx = jnp.pad(gidx, ((0, 0), (0, _EPW - epw0))).reshape(_NW, _NCH, _ECH)
    didx = jnp.pad(dst.reshape(_NW, epw0), ((0, 0), (0, _EPW - epw0)),
                   constant_values=_N).reshape(_NW, _NCH, _ECH)

    z128 = jnp.zeros((_NP, _H), jnp.float32)
    w0 = _basis(C0, W0, _H, _H)
    w1 = _basis(C1, W1, _H, _H)
    w2 = jnp.pad(_basis(C2, W2, _H, _OUT), ((0, 0), (0, 0), (0, _H - _OUT)))

    h0 = _emb(feat_in, ids_p)
    hw0 = _tfirst(h0, w0).reshape(_R * _NP, _H)
    p0 = _gsa128(hw0, gidx, didx, z128)
    hw1 = _tmid(p0, w1).reshape(_R * _NP, _H)
    p1 = _gsa128(hw1, gidx, didx, z128)
    hw2 = _tmid(p1, w2).reshape(_R * _NP, _H)
    p2 = _gsa128(hw2, gidx, didx, z128)
    out = _softmax(p2)
    return out[:_N][None]

# --- scband reference (transcript-rebuilt; emitter-appended) ---
"""Pipeline reference for scband-graph-model-80779744903656 (READ-ONLY COPY).

The authoritative reference and input builder live on the scoring server;
editing this copy changes nothing except your own understanding.
"""

import jax, jax.numpy as jnp
import numpy as np

NUM_ENVS = 1
N = 10000
E = 160000
H = 128
OUT = 32
R = 4
NB = 2
NC = 100


def setup_inputs(seed: int = 0) -> dict:
    key = jax.random.key(seed)
    ks = jax.random.split(key, 12)
    inp = {}
    inp['all_class_names'] = jax.random.randint(ks[0], (NUM_ENVS, N), 0, NC)
    inp['node_states'] = jax.random.normal(ks[1], (NUM_ENVS, N, 8), dtype=jnp.float32)
    inp['all_edge_ids'] = jax.random.randint(ks[2], (NUM_ENVS, E, 2), 0, N)
    inp['all_edge_types'] = jax.random.randint(ks[3], (NUM_ENVS, E), 0, R)
    inp['mask_nodes'] = jnp.ones((NUM_ENVS, N), dtype=jnp.int32)
    inp['mask_edges'] = jnp.ones((NUM_ENVS, E), dtype=jnp.int32)
    # learned parameters
    inp['feat_in'] = jax.random.normal(ks[4], (NC, H), dtype=jnp.float32) * 0.05
    inp['W0'] = jax.random.normal(ks[5], (NB, H, H), dtype=jnp.float32) * (1.0 / np.sqrt(H))
    inp['C0'] = jax.random.normal(ks[6], (R, NB), dtype=jnp.float32) * (1.0 / np.sqrt(NB))
    inp['W1'] = jax.random.normal(ks[7], (NB, H, H), dtype=jnp.float32) * (1.0 / np.sqrt(H))
    inp['C1'] = jax.random.normal(ks[8], (R, NB), dtype=jnp.float32) * (1.0 / np.sqrt(NB))
    inp['W2'] = jax.random.normal(ks[9], (NB, H, OUT), dtype=jnp.float32) * (1.0 / np.sqrt(H))
    inp['C2'] = jax.random.normal(ks[10], (R, NB), dtype=jnp.float32) * (1.0 / np.sqrt(NB))
    return inp


def _rgcn_layer(h, src, dst, rel, W, C, in_f, out_f, act):
    # basis decomposition, faithful to torch: weight.view(in, NB, out); matmul(w_comp, .) -> [in, R, out]; view -> [R, in, out]
    w = W.reshape(in_f, NB, out_f)
    w = jnp.matmul(C, w)  # [in_f, R, out_f] via broadcasting
    w = w.reshape(R, in_f, out_f)
    hs = h[src]  # edge-level gather [E, in_f]
    # per-edge msg = h[src] @ w[rel]; computed per-relation to avoid materializing [E, in, out]
    msg = jnp.zeros((hs.shape[0], out_f), dtype=h.dtype)
    for r in range(R):
        mr = jnp.matmul(hs, w[r])
        msg = jnp.where((rel == r)[:, None], mr, msg)
    # norm is all-ones in this setup (msg * 1.0)
    agg = jax.ops.segment_sum(msg, dst, num_segments=h.shape[0])  # fn.sum scatter-add
    return act(agg)


def reference(all_class_names, node_states, all_edge_ids, all_edge_types, mask_nodes, mask_edges, feat_in, W0, C0, W1, C1, W2, C2):
    # masks are all-ones so every env uses the full node/edge sets (num_nodes=N, num_edges=E)
    outs = []
    for env in range(all_class_names.shape[0]):
        ids = all_class_names[env]
        src = all_edge_ids[env, :, 0]
        dst = all_edge_ids[env, :, 1]
        rel = all_edge_types[env]
        h = feat_in[ids]  # nn.Embedding lookup
        h = _rgcn_layer(h, src, dst, rel, W0, C0, H, H, jax.nn.relu)
        h = _rgcn_layer(h, src, dst, rel, W1, C1, H, H, jax.nn.relu)
        h = _rgcn_layer(h, src, dst, rel, W2, C2, H, OUT, lambda x: jax.nn.softmax(x, axis=1))
        outs.append(h)
    return jnp.stack(outs, axis=0)

if __name__ == "__main__":
    import jax
    _d = setup_inputs()
    print(jax.jit(kernel)(*tuple(_d.values())))

</pallas_src>

<mosaic_0001>
#map = affine_map<(d0, d1) -> (0, 0)>
#map1 = affine_map<(d0, d1) -> (0, 0, 0)>
module attributes {stable_mosaic.version = 14 : i64} {
  func.func @gsa(%arg0: i32, %arg1: i32, %arg2: memref<40960x128xf32, #tpu.memory_space<hbm>>, %arg3: memref<32x40x128xi32, #tpu.memory_space<hbm>>, %arg4: memref<32x40x128xi32, #tpu.memory_space<hbm>>, %arg5: memref<10240x128xf32, #tpu.memory_space<hbm>>, %arg6: memref<2x10240x128xf32, #tpu.memory_space<hbm>>, %arg7: memref<40x128xi32, #tpu.memory_space<vmem>>, %arg8: memref<40x128xi32, #tpu.memory_space<vmem>>, %arg9: memref<10240x128xf32, #tpu.memory_space<vmem_shared>>, %arg10: memref<128x128xf32, #tpu.memory_space<vmem>>, %arg11: memref<128x128xf32, #tpu.memory_space<vmem>>, %arg12: memref<!tpu.dma_semaphore, #tpu.memory_space<semaphore_mem>>, %arg13: memref<!tpu.dma_semaphore, #tpu.memory_space<semaphore_mem>>, %arg14: memref<!tpu.dma_semaphore, #tpu.memory_space<semaphore_mem>>, %arg15: memref<!tpu.dma_semaphore, #tpu.memory_space<semaphore_mem>>) attributes {dimension_semantics = [#tpu.dimension_semantics<core_parallel>, #tpu.dimension_semantics<subcore_parallel>], iteration_bounds = array<i64: 2, 16>, scalar_prefetch = 0 : i64, scratch_operands = 9 : i64, tpu.core_type = #tpu.core_type<sc_vector_subcore>, window_params = [{transform_indices = #map}, {transform_indices = #map1}, {transform_indices = #map1}, {transform_indices = #map}, {transform_indices = #map1}]} {
    %mul3A = arith.constant 16 : i32
    %mul3A_0 = arith.muli %arg0, %mul3A : i32
    %add3A = arith.addi %mul3A_0, %arg1 : i32
    %mul3A_1 = arith.constant 640 : i32
    %mul3A_2 = arith.muli %arg1, %mul3A_1 : i32
    %mul3A_3 = arith.constant 640 : i32
    %mul3A_4 = arith.muli %arg1, %mul3A_3 : i32
    "tpu.region"() ({
      %run_scoped3A = tpu.sem_alloc : memref<!tpu.dma_semaphore, #tpu.memory_space<semaphore_mem>>
      %dma_start3A_28 = arith.constant 0 : i32
      %dma_start3A_29 = tpu.memref_slice %arg9[%mul3A_4, %dma_start3A_28] : memref<10240x128xf32, #tpu.memory_space<vmem_shared>> -> memref<640x128xf32, #tpu.memory_space<vmem_shared>>
      %dma_start3A_30 = arith.constant 0 : i32
      %dma_start3A_31 = tpu.memref_slice %arg5[%mul3A_2, %dma_start3A_30] : memref<10240x128xf32, #tpu.memory_space<hbm>> -> memref<640x128xf32, #tpu.memory_space<hbm>>
      tpu.enqueue_dma source(%dma_start3A_31 : memref<640x128xf32, #tpu.memory_space<hbm>>) target(%dma_start3A_29 : memref<640x128xf32, #tpu.memory_space<vmem_shared>>) target_semaphore(%run_scoped3A : memref<!tpu.dma_semaphore, #tpu.memory_space<semaphore_mem>>)
      %dma_wait3A = arith.constant 0 : i32
      %dma_wait3A_32 = tpu.memref_slice %arg9[%mul3A_4, %dma_wait3A] : memref<10240x128xf32, #tpu.memory_space<vmem_shared>> -> memref<640x128xf32, #tpu.memory_space<vmem_shared>>
      %dma_wait3A_33 = arith.constant 0 : i32
      %dma_wait3A_34 = tpu.memref_slice %arg5[%mul3A_2, %dma_wait3A_33] : memref<10240x128xf32, #tpu.memory_space<hbm>> -> memref<640x128xf32, #tpu.memory_space<hbm>>
      tpu.wait_dma2 semaphore(%run_scoped3A : memref<!tpu.dma_semaphore, #tpu.memory_space<semaphore_mem>>) src(%dma_wait3A_34 : memref<640x128xf32, #tpu.memory_space<hbm>>) dst(%dma_wait3A_32 : memref<640x128xf32, #tpu.memory_space<vmem_shared>>)
      tpu.yield
    }) : () -> ()
    "tpu.region"() ({
      %run_scoped3A = tpu.sem_alloc : memref<!tpu.dma_semaphore, #tpu.memory_space<semaphore_mem>>
      %dma_start3A_28 = arith.constant 0 : i32
      %dma_start3A_29 = arith.constant 0 : i32
      %dma_start3A_30 = tpu.memref_slice %arg3[%add3A, %dma_start3A_28, %dma_start3A_29] : memref<32x40x128xi32, #tpu.memory_space<hbm>> -> memref<1x40x128xi32, #tpu.memory_space<hbm>>
      %dma_start3A_31 = tpu.memref_squeeze %dma_start3A_30 : memref<1x40x128xi32, #tpu.memory_space<hbm>> -> memref<40x128xi32, #tpu.memory_space<hbm>>
      %dma_start3A_32 = arith.constant 0 : i32
      %dma_start3A_33 = arith.constant 0 : i32
      %dma_start3A_34 = tpu.memref_slice %arg3[%add3A, %dma_start3A_32, %dma_start3A_33] : memref<32x40x128xi32, #tpu.memory_space<hbm>> -> memref<1x40x128xi32, #tpu.memory_space<hbm>>
      %dma_start3A_35 = tpu.memref_squeeze %dma_start3A_34 : memref<1x40x128xi32, #tpu.memory_space<hbm>> -> memref<40x128xi32, #tpu.memory_space<hbm>>
      tpu.enqueue_dma source(%dma_start3A_35 : memref<40x128xi32, #tpu.memory_space<hbm>>) target(%arg7 : memref<40x128xi32, #tpu.memory_space<vmem>>) target_semaphore(%run_scoped3A : memref<!tpu.dma_semaphore, #tpu.memory_space<semaphore_mem>>)
      %dma_wait3A = arith.constant 0 : i32
      %dma_wait3A_36 = arith.constant 0 : i32
      %dma_wait3A_37 = tpu.memref_slice %arg3[%add3A, %dma_wait3A, %dma_wait3A_36] : memref<32x40x128xi32, #tpu.memory_space<hbm>> -> memref<1x40x128xi32, #tpu.memory_space<hbm>>
      %dma_wait3A_38 = tpu.memref_squeeze %dma_wait3A_37 : memref<1x40x128xi32, #tpu.memory_space<hbm>> -> memref<40x128xi32, #tpu.memory_space<hbm>>
      %dma_wait3A_39 = arith.constant 0 : i32
      %dma_wait3A_40 = arith.constant 0 : i32
      %dma_wait3A_41 = tpu.memref_slice %arg3[%add3A, %dma_wait3A_39, %dma_wait3A_40] : memref<32x40x128xi32, #tpu.memory_space<hbm>> -> memref<1x40x128xi32, #tpu.memory_space<hbm>>
      %dma_wait3A_42 = tpu.memref_squeeze %dma_wait3A_41 : memref<1x40x128xi32, #tpu.memory_space<hbm>> -> memref<40x128xi32, #tpu.memory_space<hbm>>
      tpu.wait_dma2 semaphore(%run_scoped3A : memref<!tpu.dma_semaphore, #tpu.memory_space<semaphore_mem>>) src(%dma_wait3A_42 : memref<40x128xi32, #tpu.memory_space<hbm>>) dst(%arg7 : memref<40x128xi32, #tpu.memory_space<vmem>>)
      tpu.yield
    }) : () -> ()
    "tpu.region"() ({
      %run_scoped3A = tpu.sem_alloc : memref<!tpu.dma_semaphore, #tpu.memory_space<semaphore_mem>>
      %dma_start3A_28 = arith.constant 0 : i32
      %dma_start3A_29 = arith.constant 0 : i32
      %dma_start3A_30 = tpu.memref_slice %arg4[%add3A, %dma_start3A_28, %dma_start3A_29] : memref<32x40x128xi32, #tpu.memory_space<hbm>> -> memref<1x40x128xi32, #tpu.memory_space<hbm>>
      %dma_start3A_31 = tpu.memref_squeeze %dma_start3A_30 : memref<1x40x128xi32, #tpu.memory_space<hbm>> -> memref<40x128xi32, #tpu.memory_space<hbm>>
      %dma_start3A_32 = arith.constant 0 : i32
      %dma_start3A_33 = arith.constant 0 : i32
      %dma_start3A_34 = tpu.memref_slice %arg4[%add3A, %dma_start3A_32, %dma_start3A_33] : memref<32x40x128xi32, #tpu.memory_space<hbm>> -> memref<1x40x128xi32, #tpu.memory_space<hbm>>
      %dma_start3A_35 = tpu.memref_squeeze %dma_start3A_34 : memref<1x40x128xi32, #tpu.memory_space<hbm>> -> memref<40x128xi32, #tpu.memory_space<hbm>>
      tpu.enqueue_dma source(%dma_start3A_35 : memref<40x128xi32, #tpu.memory_space<hbm>>) target(%arg8 : memref<40x128xi32, #tpu.memory_space<vmem>>) target_semaphore(%run_scoped3A : memref<!tpu.dma_semaphore, #tpu.memory_space<semaphore_mem>>)
      %dma_wait3A = arith.constant 0 : i32
      %dma_wait3A_36 = arith.constant 0 : i32
      %dma_wait3A_37 = tpu.memref_slice %arg4[%add3A, %dma_wait3A, %dma_wait3A_36] : memref<32x40x128xi32, #tpu.memory_space<hbm>> -> memref<1x40x128xi32, #tpu.memory_space<hbm>>
      %dma_wait3A_38 = tpu.memref_squeeze %dma_wait3A_37 : memref<1x40x128xi32, #tpu.memory_space<hbm>> -> memref<40x128xi32, #tpu.memory_space<hbm>>
      %dma_wait3A_39 = arith.constant 0 : i32
      %dma_wait3A_40 = arith.constant 0 : i32
      %dma_wait3A_41 = tpu.memref_slice %arg4[%add3A, %dma_wait3A_39, %dma_wait3A_40] : memref<32x40x128xi32, #tpu.memory_space<hbm>> -> memref<1x40x128xi32, #tpu.memory_space<hbm>>
      %dma_wait3A_42 = tpu.memref_squeeze %dma_wait3A_41 : memref<1x40x128xi32, #tpu.memory_space<hbm>> -> memref<40x128xi32, #tpu.memory_space<hbm>>
      tpu.wait_dma2 semaphore(%run_scoped3A : memref<!tpu.dma_semaphore, #tpu.memory_space<semaphore_mem>>) src(%dma_wait3A_42 : memref<40x128xi32, #tpu.memory_space<hbm>>) dst(%arg8 : memref<40x128xi32, #tpu.memory_space<vmem>>)
      tpu.yield
    }) : () -> ()
    %barrier3A = arith.constant 0 : index
    tpu.barrier barrier_id(%barrier3A)
    %dma_start3A = arith.constant 0 : i32
    %dma_start3A_5 = arith.constant 0 : i32
    %dma_start3A_6 = tpu.memref_slice %arg7[%dma_start3A, %dma_start3A_5] : memref<40x128xi32, #tpu.memory_space<vmem>> -> memref<1x128xi32, #tpu.memory_space<vmem>>
    %dma_start3A_7 = tpu.memref_squeeze %dma_start3A_6 : memref<1x128xi32, #tpu.memory_space<vmem>> -> memref<128xi32, #tpu.memory_space<vmem>>
    %dma_start3A_8 = arith.constant 0 : i32
    %dma_start3A_9 = arith.constant 0 : i32
    %dma_start3A_10 = tpu.memref_slice %arg2[%dma_start3A_8, %dma_start3A_9] : memref<40960x128xf32, #tpu.memory_space<hbm>> -> memref<40960x128xf32, #tpu.memory_space<hbm>>
    tpu.enqueue_indirect_dma source(%dma_start3A_10 : memref<40960x128xf32, #tpu.memory_space<hbm>>) target(%arg10 : memref<128x128xf32, #tpu.memory_space<vmem>>) offsets(%dma_start3A_7 : memref<128xi32, #tpu.memory_space<vmem>>) semaphore(%arg12 : memref<!tpu.dma_semaphore, #tpu.memory_space<semaphore_mem>>)
    %dma_start3A_11 = arith.constant 1 : i32
    %dma_start3A_12 = arith.constant 0 : i32
    %dma_start3A_13 = tpu.memref_slice %arg7[%dma_start3A_11, %dma_start3A_12] : memref<40x128xi32, #tpu.memory_space<vmem>> -> memref<1x128xi32, #tpu.memory_space<vmem>>
    %dma_start3A_14 = tpu.memref_squeeze %dma_start3A_13 : memref<1x128xi32, #tpu.memory_space<vmem>> -> memref<128xi32, #tpu.memory_space<vmem>>
    %dma_start3A_15 = arith.constant 0 : i32
    %dma_start3A_16 = arith.constant 0 : i32
    %dma_start3A_17 = tpu.memref_slice %arg2[%dma_start3A_15, %dma_start3A_16] : memref<40960x128xf32, #tpu.memory_space<hbm>> -> memref<40960x128xf32, #tpu.memory_space<hbm>>
    tpu.enqueue_indirect_dma source(%dma_start3A_17 : memref<40960x128xf32, #tpu.memory_space<hbm>>) target(%arg11 : memref<128x128xf32, #tpu.memory_space<vmem>>) offsets(%dma_start3A_14 : memref<128xi32, #tpu.memory_space<vmem>>) semaphore(%arg13 : memref<!tpu.dma_semaphore, #tpu.memory_space<semaphore_mem>>)
    %scan3A = arith.constant 0 : i32
    %scan3A_18 = arith.constant 0 : i32
    %scan3A_19 = arith.constant 20 : i32
    %scan3A_20 = arith.addi %scan3A_18, %scan3A_19 : i32
    %scan3A_21 = arith.constant 1 : i32
    scf.for %scan3A_28 = %scan3A_18 to %scan3A_20 step %scan3A_21  : i32 {
      %dma_wait3A = arith.constant 0 : i32
      %dma_wait3A_29 = arith.constant 0 : i32
      %dma_wait3A_30 = tpu.memref_slice %arg7[%dma_wait3A, %dma_wait3A_29] : memref<40x128xi32, #tpu.memory_space<vmem>> -> memref<1x128xi32, #tpu.memory_space<vmem>>
      %dma_wait3A_31 = tpu.memref_squeeze %dma_wait3A_30 : memref<1x128xi32, #tpu.memory_space<vmem>> -> memref<128xi32, #tpu.memory_space<vmem>>
      %dma_wait3A_32 = arith.constant 0 : i32
      %dma_wait3A_33 = arith.constant 0 : i32
      %dma_wait3A_34 = tpu.memref_slice %arg2[%dma_wait3A_32, %dma_wait3A_33] : memref<40960x128xf32, #tpu.memory_space<hbm>> -> memref<40960x128xf32, #tpu.memory_space<hbm>>
      tpu.wait_indirect_dma semaphore(%arg12 : memref<!tpu.dma_semaphore, #tpu.memory_space<semaphore_mem>>) src(%dma_wait3A_34 : memref<40960x128xf32, #tpu.memory_space<hbm>>) dst(%arg10 : memref<128x128xf32, #tpu.memory_space<vmem>>)
      %mul3A_35 = arith.constant 2 : i32
      %mul3A_36 = arith.muli %scan3A_28, %mul3A_35 : i32
      %add3A_37 = arith.constant 0 : i32
      %add3A_38 = arith.addi %mul3A_36, %add3A_37 : i32
      %dma_start3A_39 = arith.constant 0 : i32
      %dma_start3A_40 = tpu.memref_slice %arg8[%add3A_38, %dma_start3A_39] : memref<40x128xi32, #tpu.memory_space<vmem>> -> memref<1x128xi32, #tpu.memory_space<vmem>>
      %dma_start3A_41 = tpu.memref_squeeze %dma_start3A_40 : memref<1x128xi32, #tpu.memory_space<vmem>> -> memref<128xi32, #tpu.memory_space<vmem>>
      %dma_start3A_42 = arith.constant 0 : i32
      %dma_start3A_43 = arith.constant 0 : i32
      %dma_start3A_44 = tpu.memref_slice %arg9[%dma_start3A_42, %dma_start3A_43] : memref<10240x128xf32, #tpu.memory_space<vmem_shared>> -> memref<10240x128xf32, #tpu.memory_space<vmem_shared>>
      tpu.enqueue_indirect_dma source(%arg10 : memref<128x128xf32, #tpu.memory_space<vmem>>) target(%dma_start3A_44 : memref<10240x128xf32, #tpu.memory_space<vmem_shared>>) offsets(%dma_start3A_41 : memref<128xi32, #tpu.memory_space<vmem>>) semaphore(%arg14 : memref<!tpu.dma_semaphore, #tpu.memory_space<semaphore_mem>>) {add = true}
      %dma_wait3A_45 = arith.constant 0 : i32
      %dma_wait3A_46 = arith.constant 0 : i32
      %dma_wait3A_47 = tpu.memref_slice %arg7[%dma_wait3A_45, %dma_wait3A_46] : memref<40x128xi32, #tpu.memory_space<vmem>> -> memref<1x128xi32, #tpu.memory_space<vmem>>
      %dma_wait3A_48 = tpu.memref_squeeze %dma_wait3A_47 : memref<1x128xi32, #tpu.memory_space<vmem>> -> memref<128xi32, #tpu.memory_space<vmem>>
      %dma_wait3A_49 = arith.constant 0 : i32
      %dma_wait3A_50 = arith.constant 0 : i32
      %dma_wait3A_51 = tpu.memref_slice %arg2[%dma_wait3A_49, %dma_wait3A_50] : memref<40960x128xf32, #tpu.memory_space<hbm>> -> memref<40960x128xf32, #tpu.memory_space<hbm>>
      tpu.wait_indirect_dma semaphore(%arg13 : memref<!tpu.dma_semaphore, #tpu.memory_space<semaphore_mem>>) src(%dma_wait3A_51 : memref<40960x128xf32, #tpu.memory_space<hbm>>) dst(%arg11 : memref<128x128xf32, #tpu.memory_space<vmem>>)
      %mul3A_52 = arith.constant 2 : i32
      %mul3A_53 = arith.muli %scan3A_28, %mul3A_52 : i32
      %add3A_54 = arith.constant 1 : i32
      %add3A_55 = arith.addi %mul3A_53, %add3A_54 : i32
      %dma_start3A_56 = arith.constant 0 : i32
      %dma_start3A_57 = tpu.memref_slice %arg8[%add3A_55, %dma_start3A_56] : memref<40x128xi32, #tpu.memory_space<vmem>> -> memref<1x128xi32, #tpu.memory_space<vmem>>
      %dma_start3A_58 = tpu.memref_squeeze %dma_start3A_57 : memref<1x128xi32, #tpu.memory_space<vmem>> -> memref<128xi32, #tpu.memory_space<vmem>>
      %dma_start3A_59 = arith.constant 0 : i32
      %dma_start3A_60 = arith.constant 0 : i32
      %dma_start3A_61 = tpu.memref_slice %arg9[%dma_start3A_59, %dma_start3A_60] : memref<10240x128xf32, #tpu.memory_space<vmem_shared>> -> memref<10240x128xf32, #tpu.memory_space<vmem_shared>>
      tpu.enqueue_indirect_dma source(%arg11 : memref<128x128xf32, #tpu.memory_space<vmem>>) target(%dma_start3A_61 : memref<10240x128xf32, #tpu.memory_space<vmem_shared>>) offsets(%dma_start3A_58 : memref<128xi32, #tpu.memory_space<vmem>>) semaphore(%arg15 : memref<!tpu.dma_semaphore, #tpu.memory_space<semaphore_mem>>) {add = true}
      %dma_wait3A_62 = arith.constant 0 : i32
      %dma_wait3A_63 = arith.constant 0 : i32
      %dma_wait3A_64 = tpu.memref_slice %arg8[%dma_wait3A_62, %dma_wait3A_63] : memref<40x128xi32, #tpu.memory_space<vmem>> -> memref<1x128xi32, #tpu.memory_space<vmem>>
      %dma_wait3A_65 = tpu.memref_squeeze %dma_wait3A_64 : memref<1x128xi32, #tpu.memory_space<vmem>> -> memref<128xi32, #tpu.memory_space<vmem>>
      %dma_wait3A_66 = arith.constant 0 : i32
      %dma_wait3A_67 = arith.constant 0 : i32
      %dma_wait3A_68 = tpu.memref_slice %arg9[%dma_wait3A_66, %dma_wait3A_67] : memref<10240x128xf32, #tpu.memory_space<vmem_shared>> -> memref<10240x128xf32, #tpu.memory_space<vmem_shared>>
      tpu.wait_indirect_dma semaphore(%arg14 : memref<!tpu.dma_semaphore, #tpu.memory_space<semaphore_mem>>) src(%arg10 : memref<128x128xf32, #tpu.memory_space<vmem>>) dst(%dma_wait3A_68 : memref<10240x128xf32, #tpu.memory_space<vmem_shared>>)
      %add3A_69 = arith.constant 1 : i32
      %add3A_70 = arith.addi %scan3A_28, %add3A_69 : i32
      %lt3A = arith.constant 20 : i32
      %lt3A_71 = arith.cmpi slt, %add3A_70, %lt3A : i32
      %convert_element_type3A = arith.extui %lt3A_71 : i1 to i32
      %cond3A = arith.constant 0 : i32
      %cond3A_72 = arith.cmpi ne, %convert_element_type3A, %cond3A : i32
      scf.if %cond3A_72 {
        %add3A_87 = arith.constant 1 : i32
        %add3A_88 = arith.addi %scan3A_28, %add3A_87 : i32
        %mul3A_89 = arith.constant 2 : i32
        %mul3A_90 = arith.muli %add3A_88, %mul3A_89 : i32
        %add3A_91 = arith.constant 0 : i32
        %add3A_92 = arith.addi %mul3A_90, %add3A_91 : i32
        %dma_start3A_93 = arith.constant 0 : i32
        %dma_start3A_94 = tpu.memref_slice %arg7[%add3A_92, %dma_start3A_93] : memref<40x128xi32, #tpu.memory_space<vmem>> -> memref<1x128xi32, #tpu.memory_space<vmem>>
        %dma_start3A_95 = tpu.memref_squeeze %dma_start3A_94 : memref<1x128xi32, #tpu.memory_space<vmem>> -> memref<128xi32, #tpu.memory_space<vmem>>
        %dma_start3A_96 = arith.constant 0 : i32
        %dma_start3A_97 = arith.constant 0 : i32
        %dma_start3A_98 = tpu.memref_slice %arg2[%dma_start3A_96, %dma_start3A_97] : memref<40960x128xf32, #tpu.memory_space<hbm>> -> memref<40960x128xf32, #tpu.memory_space<hbm>>
        tpu.enqueue_indirect_dma source(%dma_start3A_98 : memref<40960x128xf32, #tpu.memory_space<hbm>>) target(%arg10 : memref<128x128xf32, #tpu.memory_space<vmem>>) offsets(%dma_start3A_95 : memref<128xi32, #tpu.memory_space<vmem>>) semaphore(%arg12 : memref<!tpu.dma_semaphore, #tpu.memory_space<semaphore_mem>>)
      } else {
      }
      %dma_wait3A_73 = arith.constant 0 : i32
      %dma_wait3A_74 = arith.constant 0 : i32
      %dma_wait3A_75 = tpu.memref_slice %arg8[%dma_wait3A_73, %dma_wait3A_74] : memref<40x128xi32, #tpu.memory_space<vmem>> -> memref<1x128xi32, #tpu.memory_space<vmem>>
      %dma_wait3A_76 = tpu.memref_squeeze %dma_wait3A_75 : memref<1x128xi32, #tpu.memory_space<vmem>> -> memref<128xi32, #tpu.memory_space<vmem>>
      %dma_wait3A_77 = arith.constant 0 : i32
      %dma_wait3A_78 = arith.constant 0 : i32
      %dma_wait3A_79 = tpu.memref_slice %arg9[%dma_wait3A_77, %dma_wait3A_78] : memref<10240x128xf32, #tpu.memory_space<vmem_shared>> -> memref<10240x128xf32, #tpu.memory_space<vmem_shared>>
      tpu.wait_indirect_dma semaphore(%arg15 : memref<!tpu.dma_semaphore, #tpu.memory_space<semaphore_mem>>) src(%arg11 : memref<128x128xf32, #tpu.memory_space<vmem>>) dst(%dma_wait3A_79 : memref<10240x128xf32, #tpu.memory_space<vmem_shared>>)
      %add3A_80 = arith.constant 1 : i32
      %add3A_81 = arith.addi %scan3A_28, %add3A_80 : i32
      %lt3A_82 = arith.constant 20 : i32
      %lt3A_83 = arith.cmpi slt, %add3A_81, %lt3A_82 : i32
      %convert_element_type3A_84 = arith.extui %lt3A_83 : i1 to i32
      %cond3A_85 = arith.constant 0 : i32
      %cond3A_86 = arith.cmpi ne, %convert_element_type3A_84, %cond3A_85 : i32
      scf.if %cond3A_86 {
        %add3A_87 = arith.constant 1 : i32
        %add3A_88 = arith.addi %scan3A_28, %add3A_87 : i32
        %mul3A_89 = arith.constant 2 : i32
        %mul3A_90 = arith.muli %add3A_88, %mul3A_89 : i32
        %add3A_91 = arith.constant 1 : i32
        %add3A_92 = arith.addi %mul3A_90, %add3A_91 : i32
        %dma_start3A_93 = arith.constant 0 : i32
        %dma_start3A_94 = tpu.memref_slice %arg7[%add3A_92, %dma_start3A_93] : memref<40x128xi32, #tpu.memory_space<vmem>> -> memref<1x128xi32, #tpu.memory_space<vmem>>
        %dma_start3A_95 = tpu.memref_squeeze %dma_start3A_94 : memref<1x128xi32, #tpu.memory_space<vmem>> -> memref<128xi32, #tpu.memory_space<vmem>>
        %dma_start3A_96 = arith.constant 0 : i32
        %dma_start3A_97 = arith.constant 0 : i32
        %dma_start3A_98 = tpu.memref_slice %arg2[%dma_start3A_96, %dma_start3A_97] : memref<40960x128xf32, #tpu.memory_space<hbm>> -> memref<40960x128xf32, #tpu.memory_space<hbm>>
        tpu.enqueue_indirect_dma source(%dma_start3A_98 : memref<40960x128xf32, #tpu.memory_space<hbm>>) target(%arg11 : memref<128x128xf32, #tpu.memory_space<vmem>>) offsets(%dma_start3A_95 : memref<128xi32, #tpu.memory_space<vmem>>) semaphore(%arg13 : memref<!tpu.dma_semaphore, #tpu.memory_space<semaphore_mem>>)
      } else {
      }
    }
    %scan3A_22 = arith.constant 20 : i32
    %barrier3A_23 = arith.constant 0 : index
    tpu.barrier barrier_id(%barrier3A_23)
    %mul3A_24 = arith.constant 640 : i32
    %mul3A_25 = arith.muli %arg1, %mul3A_24 : i32
    %mul3A_26 = arith.constant 640 : i32
    %mul3A_27 = arith.muli %arg1, %mul3A_26 : i32
    "tpu.region"() ({
      %run_scoped3A = tpu.sem_alloc : memref<!tpu.dma_semaphore, #tpu.memory_space<semaphore_mem>>
      %dma_start3A_28 = arith.constant 0 : i32
      %dma_start3A_29 = tpu.memref_slice %arg6[%arg0, %mul3A_27, %dma_start3A_28] : memref<2x10240x128xf32, #tpu.memory_space<hbm>> -> memref<1x640x128xf32, #tpu.memory_space<hbm>>
      %dma_start3A_30 = tpu.memref_squeeze %dma_start3A_29 : memref<1x640x128xf32, #tpu.memory_space<hbm>> -> memref<640x128xf32, #tpu.memory_space<hbm>>
      %dma_start3A_31 = arith.constant 0 : i32
      %dma_start3A_32 = tpu.memref_slice %arg9[%mul3A_25, %dma_start3A_31] : memref<10240x128xf32, #tpu.memory_space<vmem_shared>> -> memref<640x128xf32, #tpu.memory_space<vmem_shared>>
      tpu.enqueue_dma source(%dma_start3A_32 : memref<640x128xf32, #tpu.memory_space<vmem_shared>>) target(%dma_start3A_30 : memref<640x128xf32, #tpu.memory_space<hbm>>) target_semaphore(%run_scoped3A : memref<!tpu.dma_semaphore, #tpu.memory_space<semaphore_mem>>)
      %dma_wait3A = arith.constant 0 : i32
      %dma_wait3A_33 = tpu.memref_slice %arg6[%arg0, %mul3A_27, %dma_wait3A] : memref<2x10240x128xf32, #tpu.memory_space<hbm>> -> memref<1x640x128xf32, #tpu.memory_space<hbm>>
      %dma_wait3A_34 = tpu.memref_squeeze %dma_wait3A_33 : memref<1x640x128xf32, #tpu.memory_space<hbm>> -> memref<640x128xf32, #tpu.memory_space<hbm>>
      %dma_wait3A_35 = arith.constant 0 : i32
      %dma_wait3A_36 = tpu.memref_slice %arg9[%mul3A_25, %dma_wait3A_35] : memref<10240x128xf32, #tpu.memory_space<vmem_shared>> -> memref<640x128xf32, #tpu.memory_space<vmem_shared>>
      tpu.wait_dma2 semaphore(%run_scoped3A : memref<!tpu.dma_semaphore, #tpu.memory_space<semaphore_mem>>) src(%dma_wait3A_36 : memref<640x128xf32, #tpu.memory_space<vmem_shared>>) dst(%dma_wait3A_34 : memref<640x128xf32, #tpu.memory_space<hbm>>)
      tpu.yield
    }) : () -> ()
    return
  }
}

#map = affine_map<(d0, d1) -> (0, 0)>
#map1 = affine_map<(d0, d1) -> (0, 0, 0)>
module attributes {stable_mosaic.version = 14 : i64} {
  func.func @gsa(%arg0: i32, %arg1: i32, %arg2: memref<40960x128xf32, #tpu.memory_space<hbm>>, %arg3: memref<32x40x128xi32, #tpu.memory_space<hbm>>, %arg4: memref<32x40x128xi32, #tpu.memory_space<hbm>>, %arg5: memref<10240x128xf32, #tpu.memory_space<hbm>>, %arg6: memref<2x10240x128xf32, #tpu.memory_space<hbm>>, %arg7: memref<40x128xi32, #tpu.memory_space<vmem>>, %arg8: memref<40x128xi32, #tpu.memory_space<vmem>>, %arg9: memref<10240x128xf32, #tpu.memory_space<vmem_shared>>, %arg10: memref<128x128xf32, #tpu.memory_space<vmem>>, %arg11: memref<128x128xf32, #tpu.memory_space<vmem>>, %arg12: memref<!tpu.dma_semaphore, #tpu.memory_space<semaphore_mem>>, %arg13: memref<!tpu.dma_semaphore, #tpu.memory_space<semaphore_mem>>, %arg14: memref<!tpu.dma_semaphore, #tpu.memory_space<semaphore_mem>>, %arg15: memref<!tpu.dma_semaphore, #tpu.memory_space<semaphore_mem>>) attributes {dimension_semantics = [#tpu.dimension_semantics<core_parallel>, #tpu.dimension_semantics<subcore_parallel>], iteration_bounds = array<i64: 2, 16>, scalar_prefetch = 0 : i64, scratch_operands = 9 : i64, tpu.core_type = #tpu.core_type<sc_vector_subcore>, window_params = [{transform_indices = #map}, {transform_indices = #map1}, {transform_indices = #map1}, {transform_indices = #map}, {transform_indices = #map1}]} {
    %mul3A = arith.constant 16 : i32
    %mul3A_0 = arith.muli %arg0, %mul3A : i32
    %add3A = arith.addi %mul3A_0, %arg1 : i32
    %mul3A_1 = arith.constant 640 : i32
    %mul3A_2 = arith.muli %arg1, %mul3A_1 : i32
    %mul3A_3 = arith.constant 640 : i32
    %mul3A_4 = arith.muli %arg1, %mul3A_3 : i32
    "tpu.region"() ({
      %run_scoped3A = tpu.sem_alloc : memref<!tpu.dma_semaphore, #tpu.memory_space<semaphore_mem>>
      %dma_start3A_28 = arith.constant 0 : i32
      %dma_start3A_29 = tpu.memref_slice %arg9[%mul3A_4, %dma_start3A_28] : memref<10240x128xf32, #tpu.memory_space<vmem_shared>> -> memref<640x128xf32, #tpu.memory_space<vmem_shared>>
      %dma_start3A_30 = arith.constant 0 : i32
      %dma_start3A_31 = tpu.memref_slice %arg5[%mul3A_2, %dma_start3A_30] : memref<10240x128xf32, #tpu.memory_space<hbm>> -> memref<640x128xf32, #tpu.memory_space<hbm>>
      tpu.enqueue_dma source(%dma_start3A_31 : memref<640x128xf32, #tpu.memory_space<hbm>>) target(%dma_start3A_29 : memref<640x128xf32, #tpu.memory_space<vmem_shared>>) target_semaphore(%run_scoped3A : memref<!tpu.dma_semaphore, #tpu.memory_space<semaphore_mem>>)
      %dma_wait3A = arith.constant 0 : i32
      %dma_wait3A_32 = tpu.memref_slice %arg9[%mul3A_4, %dma_wait3A] : memref<10240x128xf32, #tpu.memory_space<vmem_shared>> -> memref<640x128xf32, #tpu.memory_space<vmem_shared>>
      %dma_wait3A_33 = arith.constant 0 : i32
      %dma_wait3A_34 = tpu.memref_slice %arg5[%mul3A_2, %dma_wait3A_33] : memref<10240x128xf32, #tpu.memory_space<hbm>> -> memref<640x128xf32, #tpu.memory_space<hbm>>
      tpu.wait_dma2 semaphore(%run_scoped3A : memref<!tpu.dma_semaphore, #tpu.memory_space<semaphore_mem>>) src(%dma_wait3A_34 : memref<640x128xf32, #tpu.memory_space<hbm>>) dst(%dma_wait3A_32 : memref<640x128xf32, #tpu.memory_space<vmem_shared>>)
      tpu.yield
    }) : () -> ()
    "tpu.region"() ({
      %run_scoped3A = tpu.sem_alloc : memref<!tpu.dma_semaphore, #tpu.memory_space<semaphore_mem>>
      %dma_start3A_28 = arith.constant 0 : i32
      %dma_start3A_29 = arith.constant 0 : i32
      %dma_start3A_30 = tpu.memref_slice %arg3[%add3A, %dma_start3A_28, %dma_start3A_29] : memref<32x40x128xi32, #tpu.memory_space<hbm>> -> memref<1x40x128xi32, #tpu.memory_space<hbm>>
      %dma_start3A_31 = tpu.memref_squeeze %dma_start3A_30 : memref<1x40x128xi32, #tpu.memory_space<hbm>> -> memref<40x128xi32, #tpu.memory_space<hbm>>
      %dma_start3A_32 = arith.constant 0 : i32
      %dma_start3A_33 = arith.constant 0 : i32
      %dma_start3A_34 = tpu.memref_slice %arg3[%add3A, %dma_start3A_32, %dma_start3A_33] : memref<32x40x128xi32, #tpu.memory_space<hbm>> -> memref<1x40x128xi32, #tpu.memory_space<hbm>>
      %dma_start3A_35 = tpu.memref_squeeze %dma_start3A_34 : memref<1x40x128xi32, #tpu.memory_space<hbm>> -> memref<40x128xi32, #tpu.memory_space<hbm>>
      tpu.enqueue_dma source(%dma_start3A_35 : memref<40x128xi32, #tpu.memory_space<hbm>>) target(%arg7 : memref<40x128xi32, #tpu.memory_space<vmem>>) target_semaphore(%run_scoped3A : memref<!tpu.dma_semaphore, #tpu.memory_space<semaphore_mem>>)
      %dma_wait3A = arith.constant 0 : i32
      %dma_wait3A_36 = arith.constant 0 : i32
      %dma_wait3A_37 = tpu.memref_slice %arg3[%add3A, %dma_wait3A, %dma_wait3A_36] : memref<32x40x128xi32, #tpu.memory_space<hbm>> -> memref<1x40x128xi32, #tpu.memory_space<hbm>>
      %dma_wait3A_38 = tpu.memref_squeeze %dma_wait3A_37 : memref<1x40x128xi32, #tpu.memory_space<hbm>> -> memref<40x128xi32, #tpu.memory_space<hbm>>
      %dma_wait3A_39 = arith.constant 0 : i32
      %dma_wait3A_40 = arith.constant 0 : i32
      %dma_wait3A_41 = tpu.memref_slice %arg3[%add3A, %dma_wait3A_39, %dma_wait3A_40] : memref<32x40x128xi32, #tpu.memory_space<hbm>> -> memref<1x40x128xi32, #tpu.memory_space<hbm>>
      %dma_wait3A_42 = tpu.memref_squeeze %dma_wait3A_41 : memref<1x40x128xi32, #tpu.memory_space<hbm>> -> memref<40x128xi32, #tpu.memory_space<hbm>>
      tpu.wait_dma2 semaphore(%run_scoped3A : memref<!tpu.dma_semaphore, #tpu.memory_space<semaphore_mem>>) src(%dma_wait3A_42 : memref<40x128xi32, #tpu.memory_space<hbm>>) dst(%arg7 : memref<40x128xi32, #tpu.memory_space<vmem>>)
      tpu.yield
    }) : () -> ()
    "tpu.region"() ({
      %run_scoped3A = tpu.sem_alloc : memref<!tpu.dma_semaphore, #tpu.memory_space<semaphore_mem>>
      %dma_start3A_28 = arith.constant 0 : i32
      %dma_start3A_29 = arith.constant 0 : i32
      %dma_start3A_30 = tpu.memref_slice %arg4[%add3A, %dma_start3A_28, %dma_start3A_29] : memref<32x40x128xi32, #tpu.memory_space<hbm>> -> memref<1x40x128xi32, #tpu.memory_space<hbm>>
      %dma_start3A_31 = tpu.memref_squeeze %dma_start3A_30 : memref<1x40x128xi32, #tpu.memory_space<hbm>> -> memref<40x128xi32, #tpu.memory_space<hbm>>
      %dma_start3A_32 = arith.constant 0 : i32
      %dma_start3A_33 = arith.constant 0 : i32
      %dma_start3A_34 = tpu.memref_slice %arg4[%add3A, %dma_start3A_32, %dma_start3A_33] : memref<32x40x128xi32, #tpu.memory_space<hbm>> -> memref<1x40x128xi32, #tpu.memory_space<hbm>>
      %dma_start3A_35 = tpu.memref_squeeze %dma_start3A_34 : memref<1x40x128xi32, #tpu.memory_space<hbm>> -> memref<40x128xi32, #tpu.memory_space<hbm>>
      tpu.enqueue_dma source(%dma_start3A_35 : memref<40x128xi32, #tpu.memory_space<hbm>>) target(%arg8 : memref<40x128xi32, #tpu.memory_space<vmem>>) target_semaphore(%run_scoped3A : memref<!tpu.dma_semaphore, #tpu.memory_space<semaphore_mem>>)
      %dma_wait3A = arith.constant 0 : i32
      %dma_wait3A_36 = arith.constant 0 : i32
      %dma_wait3A_37 = tpu.memref_slice %arg4[%add3A, %dma_wait3A, %dma_wait3A_36] : memref<32x40x128xi32, #tpu.memory_space<hbm>> -> memref<1x40x128xi32, #tpu.memory_space<hbm>>
      %dma_wait3A_38 = tpu.memref_squeeze %dma_wait3A_37 : memref<1x40x128xi32, #tpu.memory_space<hbm>> -> memref<40x128xi32, #tpu.memory_space<hbm>>
      %dma_wait3A_39 = arith.constant 0 : i32
      %dma_wait3A_40 = arith.constant 0 : i32
      %dma_wait3A_41 = tpu.memref_slice %arg4[%add3A, %dma_wait3A_39, %dma_wait3A_40] : memref<32x40x128xi32, #tpu.memory_space<hbm>> -> memref<1x40x128xi32, #tpu.memory_space<hbm>>
      %dma_wait3A_42 = tpu.memref_squeeze %dma_wait3A_41 : memref<1x40x128xi32, #tpu.memory_space<hbm>> -> memref<40x128xi32, #tpu.memory_space<hbm>>
      tpu.wait_dma2 semaphore(%run_scoped3A : memref<!tpu.dma_semaphore, #tpu.memory_space<semaphore_mem>>) src(%dma_wait3A_42 : memref<40x128xi32, #tpu.memory_space<hbm>>) dst(%arg8 : memref<40x128xi32, #tpu.memory_space<vmem>>)
      tpu.yield
    }) : () -> ()
    %barrier3A = arith.constant 0 : index
    tpu.barrier barrier_id(%barrier3A)
    %dma_start3A = arith.constant 0 : i32
    %dma_start3A_5 = arith.constant 0 : i32
    %dma_start3A_6 = tpu.memref_slice %arg7[%dma_start3A, %dma_start3A_5] : memref<40x128xi32, #tpu.memory_space<vmem>> -> memref<1x128xi32, #tpu.memory_space<vmem>>
    %dma_start3A_7 = tpu.memref_squeeze %dma_start3A_6 : memref<1x128xi32, #tpu.memory_space<vmem>> -> memref<128xi32, #tpu.memory_space<vmem>>
    %dma_start3A_8 = arith.constant 0 : i32
    %dma_start3A_9 = arith.constant 0 : i32
    %dma_start3A_10 = tpu.memref_slice %arg2[%dma_start3A_8, %dma_start3A_9] : memref<40960x128xf32, #tpu.memory_space<hbm>> -> memref<40960x128xf32, #tpu.memory_space<hbm>>
    tpu.enqueue_indirect_dma source(%dma_start3A_10 : memref<40960x128xf32, #tpu.memory_space<hbm>>) target(%arg10 : memref<128x128xf32, #tpu.memory_space<vmem>>) offsets(%dma_start3A_7 : memref<128xi32, #tpu.memory_space<vmem>>) semaphore(%arg12 : memref<!tpu.dma_semaphore, #tpu.memory_space<semaphore_mem>>)
    %dma_start3A_11 = arith.constant 1 : i32
    %dma_start3A_12 = arith.constant 0 : i32
    %dma_start3A_13 = tpu.memref_slice %arg7[%dma_start3A_11, %dma_start3A_12] : memref<40x128xi32, #tpu.memory_space<vmem>> -> memref<1x128xi32, #tpu.memory_space<vmem>>
    %dma_start3A_14 = tpu.memref_squeeze %dma_start3A_13 : memref<1x128xi32, #tpu.memory_space<vmem>> -> memref<128xi32, #tpu.memory_space<vmem>>
    %dma_start3A_15 = arith.constant 0 : i32
    %dma_start3A_16 = arith.constant 0 : i32
    %dma_start3A_17 = tpu.memref_slice %arg2[%dma_start3A_15, %dma_start3A_16] : memref<40960x128xf32, #tpu.memory_space<hbm>> -> memref<40960x128xf32, #tpu.memory_space<hbm>>
    tpu.enqueue_indirect_dma source(%dma_start3A_17 : memref<40960x128xf32, #tpu.memory_space<hbm>>) target(%arg11 : memref<128x128xf32, #tpu.memory_space<vmem>>) offsets(%dma_start3A_14 : memref<128xi32, #tpu.memory_space<vmem>>) semaphore(%arg13 : memref<!tpu.dma_semaphore, #tpu.memory_space<semaphore_mem>>)
    %scan3A = arith.constant 0 : i32
    %scan3A_18 = arith.constant 0 : i32
    %scan3A_19 = arith.constant 20 : i32
    %scan3A_20 = arith.addi %scan3A_18, %scan3A_19 : i32
    %scan3A_21 = arith.constant 1 : i32
    scf.for %scan3A_28 = %scan3A_18 to %scan3A_20 step %scan3A_21  : i32 {
      %dma_wait3A = arith.constant 0 : i32
      %dma_wait3A_29 = arith.constant 0 : i32
      %dma_wait3A_30 = tpu.memref_slice %arg7[%dma_wait3A, %dma_wait3A_29] : memref<40x128xi32, #tpu.memory_space<vmem>> -> memref<1x128xi32, #tpu.memory_space<vmem>>
      %dma_wait3A_31 = tpu.memref_squeeze %dma_wait3A_30 : memref<1x128xi32, #tpu.memory_space<vmem>> -> memref<128xi32, #tpu.memory_space<vmem>>
      %dma_wait3A_32 = arith.constant 0 : i32
      %dma_wait3A_33 = arith.constant 0 : i32
      %dma_wait3A_34 = tpu.memref_slice %arg2[%dma_wait3A_32, %dma_wait3A_33] : memref<40960x128xf32, #tpu.memory_space<hbm>> -> memref<40960x128xf32, #tpu.memory_space<hbm>>
      tpu.wait_indirect_dma semaphore(%arg12 : memref<!tpu.dma_semaphore, #tpu.memory_space<semaphore_mem>>) src(%dma_wait3A_34 : memref<40960x128xf32, #tpu.memory_space<hbm>>) dst(%arg10 : memref<128x128xf32, #tpu.memory_space<vmem>>)
      %mul3A_35 = arith.constant 2 : i32
      %mul3A_36 = arith.muli %scan3A_28, %mul3A_35 : i32
      %add3A_37 = arith.constant 0 : i32
      %add3A_38 = arith.addi %mul3A_36, %add3A_37 : i32
      %dma_start3A_39 = arith.constant 0 : i32
      %dma_start3A_40 = tpu.memref_slice %arg8[%add3A_38, %dma_start3A_39] : memref<40x128xi32, #tpu.memory_space<vmem>> -> memref<1x128xi32, #tpu.memory_space<vmem>>
      %dma_start3A_41 = tpu.memref_squeeze %dma_start3A_40 : memref<1x128xi32, #tpu.memory_space<vmem>> -> memref<128xi32, #tpu.memory_space<vmem>>
      %dma_start3A_42 = arith.constant 0 : i32
      %dma_start3A_43 = arith.constant 0 : i32
      %dma_start3A_44 = tpu.memref_slice %arg9[%dma_start3A_42, %dma_start3A_43] : memref<10240x128xf32, #tpu.memory_space<vmem_shared>> -> memref<10240x128xf32, #tpu.memory_space<vmem_shared>>
      tpu.enqueue_indirect_dma source(%arg10 : memref<128x128xf32, #tpu.memory_space<vmem>>) target(%dma_start3A_44 : memref<10240x128xf32, #tpu.memory_space<vmem_shared>>) offsets(%dma_start3A_41 : memref<128xi32, #tpu.memory_space<vmem>>) semaphore(%arg14 : memref<!tpu.dma_semaphore, #tpu.memory_space<semaphore_mem>>) {add = true}
      %dma_wait3A_45 = arith.constant 0 : i32
      %dma_wait3A_46 = arith.constant 0 : i32
      %dma_wait3A_47 = tpu.memref_slice %arg7[%dma_wait3A_45, %dma_wait3A_46] : memref<40x128xi32, #tpu.memory_space<vmem>> -> memref<1x128xi32, #tpu.memory_space<vmem>>
      %dma_wait3A_48 = tpu.memref_squeeze %dma_wait3A_47 : memref<1x128xi32, #tpu.memory_space<vmem>> -> memref<128xi32, #tpu.memory_space<vmem>>
      %dma_wait3A_49 = arith.constant 0 : i32
      %dma_wait3A_50 = arith.constant 0 : i32
      %dma_wait3A_51 = tpu.memref_slice %arg2[%dma_wait3A_49, %dma_wait3A_50] : memref<40960x128xf32, #tpu.memory_space<hbm>> -> memref<40960x128xf32, #tpu.memory_space<hbm>>
      tpu.wait_indirect_dma semaphore(%arg13 : memref<!tpu.dma_semaphore, #tpu.memory_space<semaphore_mem>>) src(%dma_wait3A_51 : memref<40960x128xf32, #tpu.memory_space<hbm>>) dst(%arg11 : memref<128x128xf32, #tpu.memory_space<vmem>>)
      %mul3A_52 = arith.constant 2 : i32
      %mul3A_53 = arith.muli %scan3A_28, %mul3A_52 : i32
      %add3A_54 = arith.constant 1 : i32
      %add3A_55 = arith.addi %mul3A_53, %add3A_54 : i32
      %dma_start3A_56 = arith.constant 0 : i32
      %dma_start3A_57 = tpu.memref_slice %arg8[%add3A_55, %dma_start3A_56] : memref<40x128xi32, #tpu.memory_space<vmem>> -> memref<1x128xi32, #tpu.memory_space<vmem>>
      %dma_start3A_58 = tpu.memref_squeeze %dma_start3A_57 : memref<1x128xi32, #tpu.memory_space<vmem>> -> memref<128xi32, #tpu.memory_space<vmem>>
      %dma_start3A_59 = arith.constant 0 : i32
      %dma_start3A_60 = arith.constant 0 : i32
      %dma_start3A_61 = tpu.memref_slice %arg9[%dma_start3A_59, %dma_start3A_60] : memref<10240x128xf32, #tpu.memory_space<vmem_shared>> -> memref<10240x128xf32, #tpu.memory_space<vmem_shared>>
      tpu.enqueue_indirect_dma source(%arg11 : memref<128x128xf32, #tpu.memory_space<vmem>>) target(%dma_start3A_61 : memref<10240x128xf32, #tpu.memory_space<vmem_shared>>) offsets(%dma_start3A_58 : memref<128xi32, #tpu.memory_space<vmem>>) semaphore(%arg15 : memref<!tpu.dma_semaphore, #tpu.memory_space<semaphore_mem>>) {add = true}
      %dma_wait3A_62 = arith.constant 0 : i32
      %dma_wait3A_63 = arith.constant 0 : i32
      %dma_wait3A_64 = tpu.memref_slice %arg8[%dma_wait3A_62, %dma_wait3A_63] : memref<40x128xi32, #tpu.memory_space<vmem>> -> memref<1x128xi32, #tpu.memory_space<vmem>>
      %dma_wait3A_65 = tpu.memref_squeeze %dma_wait3A_64 : memref<1x128xi32, #tpu.memory_space<vmem>> -> memref<128xi32, #tpu.memory_space<vmem>>
      %dma_wait3A_66 = arith.constant 0 : i32
      %dma_wait3A_67 = arith.constant 0 : i32
      %dma_wait3A_68 = tpu.memref_slice %arg9[%dma_wait3A_66, %dma_wait3A_67] : memref<10240x128xf32, #tpu.memory_space<vmem_shared>> -> memref<10240x128xf32, #tpu.memory_space<vmem_shared>>
      tpu.wait_indirect_dma semaphore(%arg14 : memref<!tpu.dma_semaphore, #tpu.memory_space<semaphore_mem>>) src(%arg10 : memref<128x128xf32, #tpu.memory_space<vmem>>) dst(%dma_wait3A_68 : memref<10240x128xf32, #tpu.memory_space<vmem_shared>>)
      %add3A_69 = arith.constant 1 : i32
      %add3A_70 = arith.addi %scan3A_28, %add3A_69 : i32
      %lt3A = arith.constant 20 : i32
      %lt3A_71 = arith.cmpi slt, %add3A_70, %lt3A : i32
      %convert_element_type3A = arith.extui %lt3A_71 : i1 to i32
      %cond3A = arith.constant 0 : i32
      %cond3A_72 = arith.cmpi ne, %convert_element_type3A, %cond3A : i32
      scf.if %cond3A_72 {
        %add3A_87 = arith.constant 1 : i32
        %add3A_88 = arith.addi %scan3A_28, %add3A_87 : i32
        %mul3A_89 = arith.constant 2 : i32
        %mul3A_90 = arith.muli %add3A_88, %mul3A_89 : i32
        %add3A_91 = arith.constant 0 : i32
        %add3A_92 = arith.addi %mul3A_90, %add3A_91 : i32
        %dma_start3A_93 = arith.constant 0 : i32
        %dma_start3A_94 = tpu.memref_slice %arg7[%add3A_92, %dma_start3A_93] : memref<40x128xi32, #tpu.memory_space<vmem>> -> memref<1x128xi32, #tpu.memory_space<vmem>>
        %dma_start3A_95 = tpu.memref_squeeze %dma_start3A_94 : memref<1x128xi32, #tpu.memory_space<vmem>> -> memref<128xi32, #tpu.memory_space<vmem>>
        %dma_start3A_96 = arith.constant 0 : i32
        %dma_start3A_97 = arith.constant 0 : i32
        %dma_start3A_98 = tpu.memref_slice %arg2[%dma_start3A_96, %dma_start3A_97] : memref<40960x128xf32, #tpu.memory_space<hbm>> -> memref<40960x128xf32, #tpu.memory_space<hbm>>
        tpu.enqueue_indirect_dma source(%dma_start3A_98 : memref<40960x128xf32, #tpu.memory_space<hbm>>) target(%arg10 : memref<128x128xf32, #tpu.memory_space<vmem>>) offsets(%dma_start3A_95 : memref<128xi32, #tpu.memory_space<vmem>>) semaphore(%arg12 : memref<!tpu.dma_semaphore, #tpu.memory_space<semaphore_mem>>)
      } else {
      }
      %dma_wait3A_73 = arith.constant 0 : i32
      %dma_wait3A_74 = arith.constant 0 : i32
      %dma_wait3A_75 = tpu.memref_slice %arg8[%dma_wait3A_73, %dma_wait3A_74] : memref<40x128xi32, #tpu.memory_space<vmem>> -> memref<1x128xi32, #tpu.memory_space<vmem>>
      %dma_wait3A_76 = tpu.memref_squeeze %dma_wait3A_75 : memref<1x128xi32, #tpu.memory_space<vmem>> -> memref<128xi32, #tpu.memory_space<vmem>>
      %dma_wait3A_77 = arith.constant 0 : i32
      %dma_wait3A_78 = arith.constant 0 : i32
      %dma_wait3A_79 = tpu.memref_slice %arg9[%dma_wait3A_77, %dma_wait3A_78] : memref<10240x128xf32, #tpu.memory_space<vmem_shared>> -> memref<10240x128xf32, #tpu.memory_space<vmem_shared>>
      tpu.wait_indirect_dma semaphore(%arg15 : memref<!tpu.dma_semaphore, #tpu.memory_space<semaphore_mem>>) src(%arg11 : memref<128x128xf32, #tpu.memory_space<vmem>>) dst(%dma_wait3A_79 : memref<10240x128xf32, #tpu.memory_space<vmem_shared>>)
      %add3A_80 = arith.constant 1 : i32
      %add3A_81 = arith.addi %scan3A_28, %add3A_80 : i32
      %lt3A_82 = arith.constant 20 : i32
      %lt3A_83 = arith.cmpi slt, %add3A_81, %lt3A_82 : i32
      %convert_element_type3A_84 = arith.extui %lt3A_83 : i1 to i32
      %cond3A_85 = arith.constant 0 : i32
      %cond3A_86 = arith.cmpi ne, %convert_element_type3A_84, %cond3A_85 : i32
      scf.if %cond3A_86 {
        %add3A_87 = arith.constant 1 : i32
        %add3A_88 = arith.addi %scan3A_28, %add3A_87 : i32
        %mul3A_89 = arith.constant 2 : i32
        %mul3A_90 = arith.muli %add3A_88, %mul3A_89 : i32
        %add3A_91 = arith.constant 1 : i32
        %add3A_92 = arith.addi %mul3A_90, %add3A_91 : i32
        %dma_start3A_93 = arith.constant 0 : i32
        %dma_start3A_94 = tpu.memref_slice %arg7[%add3A_92, %dma_start3A_93] : memref<40x128xi32, #tpu.memory_space<vmem>> -> memref<1x128xi32, #tpu.memory_space<vmem>>
        %dma_start3A_95 = tpu.memref_squeeze %dma_start3A_94 : memref<1x128xi32, #tpu.memory_space<vmem>> -> memref<128xi32, #tpu.memory_space<vmem>>
        %dma_start3A_96 = arith.constant 0 : i32
        %dma_start3A_97 = arith.constant 0 : i32
        %dma_start3A_98 = tpu.memref_slice %arg2[%dma_start3A_96, %dma_start3A_97] : memref<40960x128xf32, #tpu.memory_space<hbm>> -> memref<40960x128xf32, #tpu.memory_space<hbm>>
        tpu.enqueue_indirect_dma source(%dma_start3A_98 : memref<40960x128xf32, #tpu.memory_space<hbm>>) target(%arg11 : memref<128x128xf32, #tpu.memory_space<vmem>>) offsets(%dma_start3A_95 : memref<128xi32, #tpu.memory_space<vmem>>) semaphore(%arg13 : memref<!tpu.dma_semaphore, #tpu.memory_space<semaphore_mem>>)
      } else {
      }
    }
    %scan3A_22 = arith.constant 20 : i32
    %barrier3A_23 = arith.constant 0 : index
    tpu.barrier barrier_id(%barrier3A_23)
    %mul3A_24 = arith.constant 640 : i32
    %mul3A_25 = arith.muli %arg1, %mul3A_24 : i32
    %mul3A_26 = arith.constant 640 : i32
    %mul3A_27 = arith.muli %arg1, %mul3A_26 : i32
    "tpu.region"() ({
      %run_scoped3A = tpu.sem_alloc : memref<!tpu.dma_semaphore, #tpu.memory_space<semaphore_mem>>
      %dma_start3A_28 = arith.constant 0 : i32
      %dma_start3A_29 = tpu.memref_slice %arg6[%arg0, %mul3A_27, %dma_start3A_28] : memref<2x10240x128xf32, #tpu.memory_space<hbm>> -> memref<1x640x128xf32, #tpu.memory_space<hbm>>
      %dma_start3A_30 = tpu.memref_squeeze %dma_start3A_29 : memref<1x640x128xf32, #tpu.memory_space<hbm>> -> memref<640x128xf32, #tpu.memory_space<hbm>>
      %dma_start3A_31 = arith.constant 0 : i32
      %dma_start3A_32 = tpu.memref_slice %arg9[%mul3A_25, %dma_start3A_31] : memref<10240x128xf32, #tpu.memory_space<vmem_shared>> -> memref<640x128xf32, #tpu.memory_space<vmem_shared>>
      tpu.enqueue_dma source(%dma_start3A_32 : memref<640x128xf32, #tpu.memory_space<vmem_shared>>) target(%dma_start3A_30 : memref<640x128xf32, #tpu.memory_space<hbm>>) target_semaphore(%run_scoped3A : memref<!tpu.dma_semaphore, #tpu.memory_space<semaphore_mem>>)
      %dma_wait3A = arith.constant 0 : i32
      %dma_wait3A_33 = tpu.memref_slice %arg6[%arg0, %mul3A_27, %dma_wait3A] : memref<2x10240x128xf32, #tpu.memory_space<hbm>> -> memref<1x640x128xf32, #tpu.memory_space<hbm>>
      %dma_wait3A_34 = tpu.memref_squeeze %dma_wait3A_33 : memref<1x640x128xf32, #tpu.memory_space<hbm>> -> memref<640x128xf32, #tpu.memory_space<hbm>>
      %dma_wait3A_35 = arith.constant 0 : i32
      %dma_wait3A_36 = tpu.memref_slice %arg9[%mul3A_25, %dma_wait3A_35] : memref<10240x128xf32, #tpu.memory_space<vmem_shared>> -> memref<640x128xf32, #tpu.memory_space<vmem_shared>>
      tpu.wait_dma2 semaphore(%run_scoped3A : memref<!tpu.dma_semaphore, #tpu.memory_space<semaphore_mem>>) src(%dma_wait3A_36 : memref<640x128xf32, #tpu.memory_space<vmem_shared>>) dst(%dma_wait3A_34 : memref<640x128xf32, #tpu.memory_space<hbm>>)
      tpu.yield
    }) : () -> ()
    return
  }
}

#map = affine_map<(d0, d1) -> (0, 0)>
#map1 = affine_map<(d0, d1) -> (0, 0, 0)>
module attributes {stable_mosaic.version = 14 : i64} {
  func.func @_emb(%arg0: i32, %arg1: i32, %arg2: memref<100x128xf32, #tpu.memory_space<hbm>>, %arg3: memref<32x4x80xi32, #tpu.memory_space<hbm>>, %arg4: memref<10240x128xf32, #tpu.memory_space<hbm>>, %arg5: memref<4x80xi32, #tpu.memory_space<vmem>>, %arg6: memref<80x128xf32, #tpu.memory_space<vmem>>, %arg7: memref<!tpu.dma_semaphore, #tpu.memory_space<semaphore_mem>>) attributes {dimension_semantics = [#tpu.dimension_semantics<core_parallel>, #tpu.dimension_semantics<subcore_parallel>], iteration_bounds = array<i64: 2, 16>, scalar_prefetch = 0 : i64, scratch_operands = 3 : i64, tpu.core_type = #tpu.core_type<sc_vector_subcore>, window_params = [{transform_indices = #map}, {transform_indices = #map1}, {transform_indices = #map}]} {
    %mul3A = arith.constant 16 : i32
    %mul3A_0 = arith.muli %arg0, %mul3A : i32
    %add3A = arith.addi %mul3A_0, %arg1 : i32
    "tpu.region"() ({
      %run_scoped3A = tpu.sem_alloc : memref<!tpu.dma_semaphore, #tpu.memory_space<semaphore_mem>>
      %dma_start3A_71 = arith.constant 0 : i32
      %dma_start3A_72 = arith.constant 0 : i32
      %dma_start3A_73 = tpu.memref_slice %arg3[%add3A, %dma_start3A_71, %dma_start3A_72] : memref<32x4x80xi32, #tpu.memory_space<hbm>> -> memref<1x4x80xi32, #tpu.memory_space<hbm>>
      %dma_start3A_74 = tpu.memref_squeeze %dma_start3A_73 : memref<1x4x80xi32, #tpu.memory_space<hbm>> -> memref<4x80xi32, #tpu.memory_space<hbm>>
      %dma_start3A_75 = arith.constant 0 : i32
      %dma_start3A_76 = arith.constant 0 : i32
      %dma_start3A_77 = tpu.memref_slice %arg3[%add3A, %dma_start3A_75, %dma_start3A_76] : memref<32x4x80xi32, #tpu.memory_space<hbm>> -> memref<1x4x80xi32, #tpu.memory_space<hbm>>
      %dma_start3A_78 = tpu.memref_squeeze %dma_start3A_77 : memref<1x4x80xi32, #tpu.memory_space<hbm>> -> memref<4x80xi32, #tpu.memory_space<hbm>>
      tpu.enqueue_dma source(%dma_start3A_78 : memref<4x80xi32, #tpu.memory_space<hbm>>) target(%arg5 : memref<4x80xi32, #tpu.memory_space<vmem>>) target_semaphore(%run_scoped3A : memref<!tpu.dma_semaphore, #tpu.memory_space<semaphore_mem>>)
      %dma_wait3A_79 = arith.constant 0 : i32
      %dma_wait3A_80 = arith.constant 0 : i32
      %dma_wait3A_81 = tpu.memref_slice %arg3[%add3A, %dma_wait3A_79, %dma_wait3A_80] : memref<32x4x80xi32, #tpu.memory_space<hbm>> -> memref<1x4x80xi32, #tpu.memory_space<hbm>>
      %dma_wait3A_82 = tpu.memref_squeeze %dma_wait3A_81 : memref<1x4x80xi32, #tpu.memory_space<hbm>> -> memref<4x80xi32, #tpu.memory_space<hbm>>
      %dma_wait3A_83 = arith.constant 0 : i32
      %dma_wait3A_84 = arith.constant 0 : i32
      %dma_wait3A_85 = tpu.memref_slice %arg3[%add3A, %dma_wait3A_83, %dma_wait3A_84] : memref<32x4x80xi32, #tpu.memory_space<hbm>> -> memref<1x4x80xi32, #tpu.memory_space<hbm>>
      %dma_wait3A_86 = tpu.memref_squeeze %dma_wait3A_85 : memref<1x4x80xi32, #tpu.memory_space<hbm>> -> memref<4x80xi32, #tpu.memory_space<hbm>>
      tpu.wait_dma2 semaphore(%run_scoped3A : memref<!tpu.dma_semaphore, #tpu.memory_space<semaphore_mem>>) src(%dma_wait3A_86 : memref<4x80xi32, #tpu.memory_space<hbm>>) dst(%arg5 : memref<4x80xi32, #tpu.memory_space<vmem>>)
      tpu.yield
    }) : () -> ()
    %dma_start3A = arith.constant 0 : i32
    %dma_start3A_1 = arith.constant 0 : i32
    %dma_start3A_2 = tpu.memref_slice %arg5[%dma_start3A, %dma_start3A_1] : memref<4x80xi32, #tpu.memory_space<vmem>> -> memref<1x80xi32, #tpu.memory_space<vmem>>
    %dma_start3A_3 = tpu.memref_squeeze %dma_start3A_2 : memref<1x80xi32, #tpu.memory_space<vmem>> -> memref<80xi32, #tpu.memory_space<vmem>>
    %dma_start3A_4 = arith.constant 0 : i32
    %dma_start3A_5 = arith.constant 0 : i32
    %dma_start3A_6 = tpu.memref_slice %arg2[%dma_start3A_4, %dma_start3A_5] : memref<100x128xf32, #tpu.memory_space<hbm>> -> memref<100x128xf32, #tpu.memory_space<hbm>>
    tpu.enqueue_indirect_dma source(%dma_start3A_6 : memref<100x128xf32, #tpu.memory_space<hbm>>) target(%arg6 : memref<80x128xf32, #tpu.memory_space<vmem>>) offsets(%dma_start3A_3 : memref<80xi32, #tpu.memory_space<vmem>>) semaphore(%arg7 : memref<!tpu.dma_semaphore, #tpu.memory_space<semaphore_mem>>)
    %dma_wait3A = arith.constant 0 : i32
    %dma_wait3A_7 = arith.constant 0 : i32
    %dma_wait3A_8 = tpu.memref_slice %arg5[%dma_wait3A, %dma_wait3A_7] : memref<4x80xi32, #tpu.memory_space<vmem>> -> memref<1x80xi32, #tpu.memory_space<vmem>>
    %dma_wait3A_9 = tpu.memref_squeeze %dma_wait3A_8 : memref<1x80xi32, #tpu.memory_space<vmem>> -> memref<80xi32, #tpu.memory_space<vmem>>
    %dma_wait3A_10 = arith.constant 0 : i32
    %dma_wait3A_11 = arith.constant 0 : i32
    %dma_wait3A_12 = tpu.memref_slice %arg2[%dma_wait3A_10, %dma_wait3A_11] : memref<100x128xf32, #tpu.memory_space<hbm>> -> memref<100x128xf32, #tpu.memory_space<hbm>>
    tpu.wait_indirect_dma semaphore(%arg7 : memref<!tpu.dma_semaphore, #tpu.memory_space<semaphore_mem>>) src(%dma_wait3A_12 : memref<100x128xf32, #tpu.memory_space<hbm>>) dst(%arg6 : memref<80x128xf32, #tpu.memory_space<vmem>>)
    %mul3A_13 = arith.constant 320 : i32
    %mul3A_14 = arith.muli %add3A, %mul3A_13 : i32
    %add3A_15 = arith.constant 0 : i32
    %add3A_16 = arith.addi %mul3A_14, %add3A_15 : i32
    "tpu.region"() ({
      %run_scoped3A = tpu.sem_alloc : memref<!tpu.dma_semaphore, #tpu.memory_space<semaphore_mem>>
      %dma_start3A_71 = arith.constant 0 : i32
      %dma_start3A_72 = tpu.memref_slice %arg4[%add3A_16, %dma_start3A_71] : memref<10240x128xf32, #tpu.memory_space<hbm>> -> memref<80x128xf32, #tpu.memory_space<hbm>>
      %dma_start3A_73 = arith.constant 0 : i32
      %dma_start3A_74 = tpu.memref_slice %arg4[%add3A_16, %dma_start3A_73] : memref<10240x128xf32, #tpu.memory_space<hbm>> -> memref<80x128xf32, #tpu.memory_space<hbm>>
      tpu.enqueue_dma source(%arg6 : memref<80x128xf32, #tpu.memory_space<vmem>>) target(%dma_start3A_74 : memref<80x128xf32, #tpu.memory_space<hbm>>) target_semaphore(%run_scoped3A : memref<!tpu.dma_semaphore, #tpu.memory_space<semaphore_mem>>)
      %dma_wait3A_75 = arith.constant 0 : i32
      %dma_wait3A_76 = tpu.memref_slice %arg4[%add3A_16, %dma_wait3A_75] : memref<10240x128xf32, #tpu.memory_space<hbm>> -> memref<80x128xf32, #tpu.memory_space<hbm>>
      %dma_wait3A_77 = arith.constant 0 : i32
      %dma_wait3A_78 = tpu.memref_slice %arg4[%add3A_16, %dma_wait3A_77] : memref<10240x128xf32, #tpu.memory_space<hbm>> -> memref<80x128xf32, #tpu.memory_space<hbm>>
      tpu.wait_dma2 semaphore(%run_scoped3A : memref<!tpu.dma_semaphore, #tpu.memory_space<semaphore_mem>>) src(%arg6 : memref<80x128xf32, #tpu.memory_space<vmem>>) dst(%dma_wait3A_78 : memref<80x128xf32, #tpu.memory_space<hbm>>)
      tpu.yield
    }) : () -> ()
    %dma_start3A_17 = arith.constant 1 : i32
    %dma_start3A_18 = arith.constant 0 : i32
    %dma_start3A_19 = tpu.memref_slice %arg5[%dma_start3A_17, %dma_start3A_18] : memref<4x80xi32, #tpu.memory_space<vmem>> -> memref<1x80xi32, #tpu.memory_space<vmem>>
    %dma_start3A_20 = tpu.memref_squeeze %dma_start3A_19 : memref<1x80xi32, #tpu.memory_space<vmem>> -> memref<80xi32, #tpu.memory_space<vmem>>
    %dma_start3A_21 = arith.constant 0 : i32
    %dma_start3A_22 = arith.constant 0 : i32
    %dma_start3A_23 = tpu.memref_slice %arg2[%dma_start3A_21, %dma_start3A_22] : memref<100x128xf32, #tpu.memory_space<hbm>> -> memref<100x128xf32, #tpu.memory_space<hbm>>
    tpu.enqueue_indirect_dma source(%dma_start3A_23 : memref<100x128xf32, #tpu.memory_space<hbm>>) target(%arg6 : memref<80x128xf32, #tpu.memory_space<vmem>>) offsets(%dma_start3A_20 : memref<80xi32, #tpu.memory_space<vmem>>) semaphore(%arg7 : memref<!tpu.dma_semaphore, #tpu.memory_space<semaphore_mem>>)
    %dma_wait3A_24 = arith.constant 1 : i32
    %dma_wait3A_25 = arith.constant 0 : i32
    %dma_wait3A_26 = tpu.memref_slice %arg5[%dma_wait3A_24, %dma_wait3A_25] : memref<4x80xi32, #tpu.memory_space<vmem>> -> memref<1x80xi32, #tpu.memory_space<vmem>>
    %dma_wait3A_27 = tpu.memref_squeeze %dma_wait3A_26 : memref<1x80xi32, #tpu.memory_space<vmem>> -> memref<80xi32, #tpu.memory_space<vmem>>
    %dma_wait3A_28 = arith.constant 0 : i32
    %dma_wait3A_29 = arith.constant 0 : i32
    %dma_wait3A_30 = tpu.memref_slice %arg2[%dma_wait3A_28, %dma_wait3A_29] : memref<100x128xf32, #tpu.memory_space<hbm>> -> memref<100x128xf32, #tpu.memory_space<hbm>>
    tpu.wait_indirect_dma semaphore(%arg7 : memref<!tpu.dma_semaphore, #tpu.memory_space<semaphore_mem>>) src(%dma_wait3A_30 : memref<100x128xf32, #tpu.memory_space<hbm>>) dst(%arg6 : memref<80x128xf32, #tpu.memory_space<vmem>>)
    %mul3A_31 = arith.constant 320 : i32
    %mul3A_32 = arith.muli %add3A, %mul3A_31 : i32
    %add3A_33 = arith.constant 80 : i32
    %add3A_34 = arith.addi %mul3A_32, %add3A_33 : i32
    "tpu.region"() ({
      %run_scoped3A = tpu.sem_alloc : memref<!tpu.dma_semaphore, #tpu.memory_space<semaphore_mem>>
      %dma_start3A_71 = arith.constant 0 : i32
      %dma_start3A_72 = tpu.memref_slice %arg4[%add3A_34, %dma_start3A_71] : memref<10240x128xf32, #tpu.memory_space<hbm>> -> memref<80x128xf32, #tpu.memory_space<hbm>>
      %dma_start3A_73 = arith.constant 0 : i32
      %dma_start3A_74 = tpu.memref_slice %arg4[%add3A_34, %dma_start3A_73] : memref<10240x128xf32, #tpu.memory_space<hbm>> -> memref<80x128xf32, #tpu.memory_space<hbm>>
      tpu.enqueue_dma source(%arg6 : memref<80x128xf32, #tpu.memory_space<vmem>>) target(%dma_start3A_74 : memref<80x128xf32, #tpu.memory_space<hbm>>) target_semaphore(%run_scoped3A : memref<!tpu.dma_semaphore, #tpu.memory_space<semaphore_mem>>)
      %dma_wait3A_75 = arith.constant 0 : i32
      %dma_wait3A_76 = tpu.memref_slice %arg4[%add3A_34, %dma_wait3A_75] : memref<10240x128xf32, #tpu.memory_space<hbm>> -> memref<80x128xf32, #tpu.memory_space<hbm>>
      %dma_wait3A_77 = arith.constant 0 : i32
      %dma_wait3A_78 = tpu.memref_slice %arg4[%add3A_34, %dma_wait3A_77] : memref<10240x128xf32, #tpu.memory_space<hbm>> -> memref<80x128xf32, #tpu.memory_space<hbm>>
      tpu.wait_dma2 semaphore(%run_scoped3A : memref<!tpu.dma_semaphore, #tpu.memory_space<semaphore_mem>>) src(%arg6 : memref<80x128xf32, #tpu.memory_space<vmem>>) dst(%dma_wait3A_78 : memref<80x128xf32, #tpu.memory_space<hbm>>)
      tpu.yield
    }) : () -> ()
    %dma_start3A_35 = arith.constant 2 : i32
    %dma_start3A_36 = arith.constant 0 : i32
    %dma_start3A_37 = tpu.memref_slice %arg5[%dma_start3A_35, %dma_start3A_36] : memref<4x80xi32, #tpu.memory_space<vmem>> -> memref<1x80xi32, #tpu.memory_space<vmem>>
    %dma_start3A_38 = tpu.memref_squeeze %dma_start3A_37 : memref<1x80xi32, #tpu.memory_space<vmem>> -> memref<80xi32, #tpu.memory_space<vmem>>
    %dma_start3A_39 = arith.constant 0 : i32
    %dma_start3A_40 = arith.constant 0 : i32
    %dma_start3A_41 = tpu.memref_slice %arg2[%dma_start3A_39, %dma_start3A_40] : memref<100x128xf32, #tpu.memory_space<hbm>> -> memref<100x128xf32, #tpu.memory_space<hbm>>
    tpu.enqueue_indirect_dma source(%dma_start3A_41 : memref<100x128xf32, #tpu.memory_space<hbm>>) target(%arg6 : memref<80x128xf32, #tpu.memory_space<vmem>>) offsets(%dma_start3A_38 : memref<80xi32, #tpu.memory_space<vmem>>) semaphore(%arg7 : memref<!tpu.dma_semaphore, #tpu.memory_space<semaphore_mem>>)
    %dma_wait3A_42 = arith.constant 2 : i32
    %dma_wait3A_43 = arith.constant 0 : i32
    %dma_wait3A_44 = tpu.memref_slice %arg5[%dma_wait3A_42, %dma_wait3A_43] : memref<4x80xi32, #tpu.memory_space<vmem>> -> memref<1x80xi32, #tpu.memory_space<vmem>>
    %dma_wait3A_45 = tpu.memref_squeeze %dma_wait3A_44 : memref<1x80xi32, #tpu.memory_space<vmem>> -> memref<80xi32, #tpu.memory_space<vmem>>
    %dma_wait3A_46 = arith.constant 0 : i32
    %dma_wait3A_47 = arith.constant 0 : i32
    %dma_wait3A_48 = tpu.memref_slice %arg2[%dma_wait3A_46, %dma_wait3A_47] : memref<100x128xf32, #tpu.memory_space<hbm>> -> memref<100x128xf32, #tpu.memory_space<hbm>>
    tpu.wait_indirect_dma semaphore(%arg7 : memref<!tpu.dma_semaphore, #tpu.memory_space<semaphore_mem>>) src(%dma_wait3A_48 : memref<100x128xf32, #tpu.memory_space<hbm>>) dst(%arg6 : memref<80x128xf32, #tpu.memory_space<vmem>>)
    %mul3A_49 = arith.constant 320 : i32
    %mul3A_50 = arith.muli %add3A, %mul3A_49 : i32
    %add3A_51 = arith.constant 160 : i32
    %add3A_52 = arith.addi %mul3A_50, %add3A_51 : i32
    "tpu.region"() ({
      %run_scoped3A = tpu.sem_alloc : memref<!tpu.dma_semaphore, #tpu.memory_space<semaphore_mem>>
      %dma_start3A_71 = arith.constant 0 : i32
      %dma_start3A_72 = tpu.memref_slice %arg4[%add3A_52, %dma_start3A_71] : memref<10240x128xf32, #tpu.memory_space<hbm>> -> memref<80x128xf32, #tpu.memory_space<hbm>>
      %dma_start3A_73 = arith.constant 0 : i32
      %dma_start3A_74 = tpu.memref_slice %arg4[%add3A_52, %dma_start3A_73] : memref<10240x128xf32, #tpu.memory_space<hbm>> -> memref<80x128xf32, #tpu.memory_space<hbm>>
      tpu.enqueue_dma source(%arg6 : memref<80x128xf32, #tpu.memory_space<vmem>>) target(%dma_start3A_74 : memref<80x128xf32, #tpu.memory_space<hbm>>) target_semaphore(%run_scoped3A : memref<!tpu.dma_semaphore, #tpu.memory_space<semaphore_mem>>)
      %dma_wait3A_75 = arith.constant 0 : i32
      %dma_wait3A_76 = tpu.memref_slice %arg4[%add3A_52, %dma_wait3A_75] : memref<10240x128xf32, #tpu.memory_space<hbm>> -> memref<80x128xf32, #tpu.memory_space<hbm>>
      %dma_wait3A_77 = arith.constant 0 : i32
      %dma_wait3A_78 = tpu.memref_slice %arg4[%add3A_52, %dma_wait3A_77] : memref<10240x128xf32, #tpu.memory_space<hbm>> -> memref<80x128xf32, #tpu.memory_space<hbm>>
      tpu.wait_dma2 semaphore(%run_scoped3A : memref<!tpu.dma_semaphore, #tpu.memory_space<semaphore_mem>>) src(%arg6 : memref<80x128xf32, #tpu.memory_space<vmem>>) dst(%dma_wait3A_78 : memref<80x128xf32, #tpu.memory_space<hbm>>)
      tpu.yield
    }) : () -> ()
    %dma_start3A_53 = arith.constant 3 : i32
    %dma_start3A_54 = arith.constant 0 : i32
    %dma_start3A_55 = tpu.memref_slice %arg5[%dma_start3A_53, %dma_start3A_54] : memref<4x80xi32, #tpu.memory_space<vmem>> -> memref<1x80xi32, #tpu.memory_space<vmem>>
    %dma_start3A_56 = tpu.memref_squeeze %dma_start3A_55 : memref<1x80xi32, #tpu.memory_space<vmem>> -> memref<80xi32, #tpu.memory_space<vmem>>
    %dma_start3A_57 = arith.constant 0 : i32
    %dma_start3A_58 = arith.constant 0 : i32
    %dma_start3A_59 = tpu.memref_slice %arg2[%dma_start3A_57, %dma_start3A_58] : memref<100x128xf32, #tpu.memory_space<hbm>> -> memref<100x128xf32, #tpu.memory_space<hbm>>
    tpu.enqueue_indirect_dma source(%dma_start3A_59 : memref<100x128xf32, #tpu.memory_space<hbm>>) target(%arg6 : memref<80x128xf32, #tpu.memory_space<vmem>>) offsets(%dma_start3A_56 : memref<80xi32, #tpu.memory_space<vmem>>) semaphore(%arg7 : memref<!tpu.dma_semaphore, #tpu.memory_space<semaphore_mem>>)
    %dma_wait3A_60 = arith.constant 3 : i32
    %dma_wait3A_61 = arith.constant 0 : i32
    %dma_wait3A_62 = tpu.memref_slice %arg5[%dma_wait3A_60, %dma_wait3A_61] : memref<4x80xi32, #tpu.memory_space<vmem>> -> memref<1x80xi32, #tpu.memory_space<vmem>>
    %dma_wait3A_63 = tpu.memref_squeeze %dma_wait3A_62 : memref<1x80xi32, #tpu.memory_space<vmem>> -> memref<80xi32, #tpu.memory_space<vmem>>
    %dma_wait3A_64 = arith.constant 0 : i32
    %dma_wait3A_65 = arith.constant 0 : i32
    %dma_wait3A_66 = tpu.memref_slice %arg2[%dma_wait3A_64, %dma_wait3A_65] : memref<100x128xf32, #tpu.memory_space<hbm>> -> memref<100x128xf32, #tpu.memory_space<hbm>>
    tpu.wait_indirect_dma semaphore(%arg7 : memref<!tpu.dma_semaphore, #tpu.memory_space<semaphore_mem>>) src(%dma_wait3A_66 : memref<100x128xf32, #tpu.memory_space<hbm>>) dst(%arg6 : memref<80x128xf32, #tpu.memory_space<vmem>>)
    %mul3A_67 = arith.constant 320 : i32
    %mul3A_68 = arith.muli %add3A, %mul3A_67 : i32
    %add3A_69 = arith.constant 240 : i32
    %add3A_70 = arith.addi %mul3A_68, %add3A_69 : i32
    "tpu.region"() ({
      %run_scoped3A = tpu.sem_alloc : memref<!tpu.dma_semaphore, #tpu.memory_space<semaphore_mem>>
      %dma_start3A_71 = arith.constant 0 : i32
      %dma_start3A_72 = tpu.memref_slice %arg4[%add3A_70, %dma_start3A_71] : memref<10240x128xf32, #tpu.memory_space<hbm>> -> memref<80x128xf32, #tpu.memory_space<hbm>>
      %dma_start3A_73 = arith.constant 0 : i32
      %dma_start3A_74 = tpu.memref_slice %arg4[%add3A_70, %dma_start3A_73] : memref<10240x128xf32, #tpu.memory_space<hbm>> -> memref<80x128xf32, #tpu.memory_space<hbm>>
      tpu.enqueue_dma source(%arg6 : memref<80x128xf32, #tpu.memory_space<vmem>>) target(%dma_start3A_74 : memref<80x128xf32, #tpu.memory_space<hbm>>) target_semaphore(%run_scoped3A : memref<!tpu.dma_semaphore, #tpu.memory_space<semaphore_mem>>)
      %dma_wait3A_75 = arith.constant 0 : i32
      %dma_wait3A_76 = tpu.memref_slice %arg4[%add3A_70, %dma_wait3A_75] : memref<10240x128xf32, #tpu.memory_space<hbm>> -> memref<80x128xf32, #tpu.memory_space<hbm>>
      %dma_wait3A_77 = arith.constant 0 : i32
      %dma_wait3A_78 = tpu.memref_slice %arg4[%add3A_70, %dma_wait3A_77] : memref<10240x128xf32, #tpu.memory_space<hbm>> -> memref<80x128xf32, #tpu.memory_space<hbm>>
      tpu.wait_dma2 semaphore(%run_scoped3A : memref<!tpu.dma_semaphore, #tpu.memory_space<semaphore_mem>>) src(%arg6 : memref<80x128xf32, #tpu.memory_space<vmem>>) dst(%dma_wait3A_78 : memref<80x128xf32, #tpu.memory_space<hbm>>)
      tpu.yield
    }) : () -> ()
    return
  }
}

#map = affine_map<(d0, d1) -> (0, 0)>
#map1 = affine_map<(d0, d1) -> (0, 0, 0)>
module attributes {stable_mosaic.version = 14 : i64} {
  func.func @gsa(%arg0: i32, %arg1: i32, %arg2: memref<40960x128xf32, #tpu.memory_space<hbm>>, %arg3: memref<32x40x128xi32, #tpu.memory_space<hbm>>, %arg4: memref<32x40x128xi32, #tpu.memory_space<hbm>>, %arg5: memref<10240x128xf32, #tpu.memory_space<hbm>>, %arg6: memref<2x10240x128xf32, #tpu.memory_space<hbm>>, %arg7: memref<40x128xi32, #tpu.memory_space<vmem>>, %arg8: memref<40x128xi32, #tpu.memory_space<vmem>>, %arg9: memref<10240x128xf32, #tpu.memory_space<vmem_shared>>, %arg10: memref<128x128xf32, #tpu.memory_space<vmem>>, %arg11: memref<128x128xf32, #tpu.memory_space<vmem>>, %arg12: memref<!tpu.dma_semaphore, #tpu.memory_space<semaphore_mem>>, %arg13: memref<!tpu.dma_semaphore, #tpu.memory_space<semaphore_mem>>, %arg14: memref<!tpu.dma_semaphore, #tpu.memory_space<semaphore_mem>>, %arg15: memref<!tpu.dma_semaphore, #tpu.memory_space<semaphore_mem>>) attributes {dimension_semantics = [#tpu.dimension_semantics<core_parallel>, #tpu.dimension_semantics<subcore_parallel>], iteration_bounds = array<i64: 2, 16>, scalar_prefetch = 0 : i64, scratch_operands = 9 : i64, tpu.core_type = #tpu.core_type<sc_vector_subcore>, window_params = [{transform_indices = #map}, {transform_indices = #map1}, {transform_indices = #map1}, {transform_indices = #map}, {transform_indices = #map1}]} {
    %mul3A = arith.constant 16 : i32
    %mul3A_0 = arith.muli %arg0, %mul3A : i32
    %add3A = arith.addi %mul3A_0, %arg1 : i32
    %mul3A_1 = arith.constant 640 : i32
    %mul3A_2 = arith.muli %arg1, %mul3A_1 : i32
    %mul3A_3 = arith.constant 640 : i32
    %mul3A_4 = arith.muli %arg1, %mul3A_3 : i32
    "tpu.region"() ({
      %run_scoped3A = tpu.sem_alloc : memref<!tpu.dma_semaphore, #tpu.memory_space<semaphore_mem>>
      %dma_start3A_28 = arith.constant 0 : i32
      %dma_start3A_29 = tpu.memref_slice %arg9[%mul3A_4, %dma_start3A_28] : memref<10240x128xf32, #tpu.memory_space<vmem_shared>> -> memref<640x128xf32, #tpu.memory_space<vmem_shared>>
      %dma_start3A_30 = arith.constant 0 : i32
      %dma_start3A_31 = tpu.memref_slice %arg5[%mul3A_2, %dma_start3A_30] : memref<10240x128xf32, #tpu.memory_space<hbm>> -> memref<640x128xf32, #tpu.memory_space<hbm>>
      tpu.enqueue_dma source(%dma_start3A_31 : memref<640x128xf32, #tpu.memory_space<hbm>>) target(%dma_start3A_29 : memref<640x128xf32, #tpu.memory_space<vmem_shared>>) target_semaphore(%run_scoped3A : memref<!tpu.dma_semaphore, #tpu.memory_space<semaphore_mem>>)
      %dma_wait3A = arith.constant 0 : i32
      %dma_wait3A_32 = tpu.memref_slice %arg9[%mul3A_4, %dma_wait3A] : memref<10240x128xf32, #tpu.memory_space<vmem_shared>> -> memref<640x128xf32, #tpu.memory_space<vmem_shared>>
      %dma_wait3A_33 = arith.constant 0 : i32
      %dma_wait3A_34 = tpu.memref_slice %arg5[%mul3A_2, %dma_wait3A_33] : memref<10240x128xf32, #tpu.memory_space<hbm>> -> memref<640x128xf32, #tpu.memory_space<hbm>>
      tpu.wait_dma2 semaphore(%run_scoped3A : memref<!tpu.dma_semaphore, #tpu.memory_space<semaphore_mem>>) src(%dma_wait3A_34 : memref<640x128xf32, #tpu.memory_space<hbm>>) dst(%dma_wait3A_32 : memref<640x128xf32, #tpu.memory_space<vmem_shared>>)
      tpu.yield
    }) : () -> ()
    "tpu.region"() ({
      %run_scoped3A = tpu.sem_alloc : memref<!tpu.dma_semaphore, #tpu.memory_space<semaphore_mem>>
      %dma_start3A_28 = arith.constant 0 : i32
      %dma_start3A_29 = arith.constant 0 : i32
      %dma_start3A_30 = tpu.memref_slice %arg3[%add3A, %dma_start3A_28, %dma_start3A_29] : memref<32x40x128xi32, #tpu.memory_space<hbm>> -> memref<1x40x128xi32, #tpu.memory_space<hbm>>
      %dma_start3A_31 = tpu.memref_squeeze %dma_start3A_30 : memref<1x40x128xi32, #tpu.memory_space<hbm>> -> memref<40x128xi32, #tpu.memory_space<hbm>>
      %dma_start3A_32 = arith.constant 0 : i32
      %dma_start3A_33 = arith.constant 0 : i32
      %dma_start3A_34 = tpu.memref_slice %arg3[%add3A, %dma_start3A_32, %dma_start3A_33] : memref<32x40x128xi32, #tpu.memory_space<hbm>> -> memref<1x40x128xi32, #tpu.memory_space<hbm>>
      %dma_start3A_35 = tpu.memref_squeeze %dma_start3A_34 : memref<1x40x128xi32, #tpu.memory_space<hbm>> -> memref<40x128xi32, #tpu.memory_space<hbm>>
      tpu.enqueue_dma source(%dma_start3A_35 : memref<40x128xi32, #tpu.memory_space<hbm>>) target(%arg7 : memref<40x128xi32, #tpu.memory_space<vmem>>) target_semaphore(%run_scoped3A : memref<!tpu.dma_semaphore, #tpu.memory_space<semaphore_mem>>)
      %dma_wait3A = arith.constant 0 : i32
      %dma_wait3A_36 = arith.constant 0 : i32
      %dma_wait3A_37 = tpu.memref_slice %arg3[%add3A, %dma_wait3A, %dma_wait3A_36] : memref<32x40x128xi32, #tpu.memory_space<hbm>> -> memref<1x40x128xi32, #tpu.memory_space<hbm>>
      %dma_wait3A_38 = tpu.memref_squeeze %dma_wait3A_37 : memref<1x40x128xi32, #tpu.memory_space<hbm>> -> memref<40x128xi32, #tpu.memory_space<hbm>>
      %dma_wait3A_39 = arith.constant 0 : i32
      %dma_wait3A_40 = arith.constant 0 : i32
      %dma_wait3A_41 = tpu.memref_slice %arg3[%add3A, %dma_wait3A_39, %dma_wait3A_40] : memref<32x40x128xi32, #tpu.memory_space<hbm>> -> memref<1x40x128xi32, #tpu.memory_space<hbm>>
      %dma_wait3A_42 = tpu.memref_squeeze %dma_wait3A_41 : memref<1x40x128xi32, #tpu.memory_space<hbm>> -> memref<40x128xi32, #tpu.memory_space<hbm>>
      tpu.wait_dma2 semaphore(%run_scoped3A : memref<!tpu.dma_semaphore, #tpu.memory_space<semaphore_mem>>) src(%dma_wait3A_42 : memref<40x128xi32, #tpu.memory_space<hbm>>) dst(%arg7 : memref<40x128xi32, #tpu.memory_space<vmem>>)
      tpu.yield
    }) : () -> ()
    "tpu.region"() ({
      %run_scoped3A = tpu.sem_alloc : memref<!tpu.dma_semaphore, #tpu.memory_space<semaphore_mem>>
      %dma_start3A_28 = arith.constant 0 : i32
      %dma_start3A_29 = arith.constant 0 : i32
      %dma_start3A_30 = tpu.memref_slice %arg4[%add3A, %dma_start3A_28, %dma_start3A_29] : memref<32x40x128xi32, #tpu.memory_space<hbm>> -> memref<1x40x128xi32, #tpu.memory_space<hbm>>
      %dma_start3A_31 = tpu.memref_squeeze %dma_start3A_30 : memref<1x40x128xi32, #tpu.memory_space<hbm>> -> memref<40x128xi32, #tpu.memory_space<hbm>>
      %dma_start3A_32 = arith.constant 0 : i32
      %dma_start3A_33 = arith.constant 0 : i32
      %dma_start3A_34 = tpu.memref_slice %arg4[%add3A, %dma_start3A_32, %dma_start3A_33] : memref<32x40x128xi32, #tpu.memory_space<hbm>> -> memref<1x40x128xi32, #tpu.memory_space<hbm>>
      %dma_start3A_35 = tpu.memref_squeeze %dma_start3A_34 : memref<1x40x128xi32, #tpu.memory_space<hbm>> -> memref<40x128xi32, #tpu.memory_space<hbm>>
      tpu.enqueue_dma source(%dma_start3A_35 : memref<40x128xi32, #tpu.memory_space<hbm>>) target(%arg8 : memref<40x128xi32, #tpu.memory_space<vmem>>) target_semaphore(%run_scoped3A : memref<!tpu.dma_semaphore, #tpu.memory_space<semaphore_mem>>)
      %dma_wait3A = arith.constant 0 : i32
      %dma_wait3A_36 = arith.constant 0 : i32
      %dma_wait3A_37 = tpu.memref_slice %arg4[%add3A, %dma_wait3A, %dma_wait3A_36] : memref<32x40x128xi32, #tpu.memory_space<hbm>> -> memref<1x40x128xi32, #tpu.memory_space<hbm>>
      %dma_wait3A_38 = tpu.memref_squeeze %dma_wait3A_37 : memref<1x40x128xi32, #tpu.memory_space<hbm>> -> memref<40x128xi32, #tpu.memory_space<hbm>>
      %dma_wait3A_39 = arith.constant 0 : i32
      %dma_wait3A_40 = arith.constant 0 : i32
      %dma_wait3A_41 = tpu.memref_slice %arg4[%add3A, %dma_wait3A_39, %dma_wait3A_40] : memref<32x40x128xi32, #tpu.memory_space<hbm>> -> memref<1x40x128xi32, #tpu.memory_space<hbm>>
      %dma_wait3A_42 = tpu.memref_squeeze %dma_wait3A_41 : memref<1x40x128xi32, #tpu.memory_space<hbm>> -> memref<40x128xi32, #tpu.memory_space<hbm>>
      tpu.wait_dma2 semaphore(%run_scoped3A : memref<!tpu.dma_semaphore, #tpu.memory_space<semaphore_mem>>) src(%dma_wait3A_42 : memref<40x128xi32, #tpu.memory_space<hbm>>) dst(%arg8 : memref<40x128xi32, #tpu.memory_space<vmem>>)
      tpu.yield
    }) : () -> ()
    %barrier3A = arith.constant 0 : index
    tpu.barrier barrier_id(%barrier3A)
    %dma_start3A = arith.constant 0 : i32
    %dma_start3A_5 = arith.constant 0 : i32
    %dma_start3A_6 = tpu.memref_slice %arg7[%dma_start3A, %dma_start3A_5] : memref<40x128xi32, #tpu.memory_space<vmem>> -> memref<1x128xi32, #tpu.memory_space<vmem>>
    %dma_start3A_7 = tpu.memref_squeeze %dma_start3A_6 : memref<1x128xi32, #tpu.memory_space<vmem>> -> memref<128xi32, #tpu.memory_space<vmem>>
    %dma_start3A_8 = arith.constant 0 : i32
    %dma_start3A_9 = arith.constant 0 : i32
    %dma_start3A_10 = tpu.memref_slice %arg2[%dma_start3A_8, %dma_start3A_9] : memref<40960x128xf32, #tpu.memory_space<hbm>> -> memref<40960x128xf32, #tpu.memory_space<hbm>>
    tpu.enqueue_indirect_dma source(%dma_start3A_10 : memref<40960x128xf32, #tpu.memory_space<hbm>>) target(%arg10 : memref<128x128xf32, #tpu.memory_space<vmem>>) offsets(%dma_start3A_7 : memref<128xi32, #tpu.memory_space<vmem>>) semaphore(%arg12 : memref<!tpu.dma_semaphore, #tpu.memory_space<semaphore_mem>>)
    %dma_start3A_11 = arith.constant 1 : i32
    %dma_start3A_12 = arith.constant 0 : i32
    %dma_start3A_13 = tpu.memref_slice %arg7[%dma_start3A_11, %dma_start3A_12] : memref<40x128xi32, #tpu.memory_space<vmem>> -> memref<1x128xi32, #tpu.memory_space<vmem>>
    %dma_start3A_14 = tpu.memref_squeeze %dma_start3A_13 : memref<1x128xi32, #tpu.memory_space<vmem>> -> memref<128xi32, #tpu.memory_space<vmem>>
    %dma_start3A_15 = arith.constant 0 : i32
    %dma_start3A_16 = arith.constant 0 : i32
    %dma_start3A_17 = tpu.memref_slice %arg2[%dma_start3A_15, %dma_start3A_16] : memref<40960x128xf32, #tpu.memory_space<hbm>> -> memref<40960x128xf32, #tpu.memory_space<hbm>>
    tpu.enqueue_indirect_dma source(%dma_start3A_17 : memref<40960x128xf32, #tpu.memory_space<hbm>>) target(%arg11 : memref<128x128xf32, #tpu.memory_space<vmem>>) offsets(%dma_start3A_14 : memref<128xi32, #tpu.memory_space<vmem>>) semaphore(%arg13 : memref<!tpu.dma_semaphore, #tpu.memory_space<semaphore_mem>>)
    %scan3A = arith.constant 0 : i32
    %scan3A_18 = arith.constant 0 : i32
    %scan3A_19 = arith.constant 20 : i32
    %scan3A_20 = arith.addi %scan3A_18, %scan3A_19 : i32
    %scan3A_21 = arith.constant 1 : i32
    scf.for %scan3A_28 = %scan3A_18 to %scan3A_20 step %scan3A_21  : i32 {
      %dma_wait3A = arith.constant 0 : i32
      %dma_wait3A_29 = arith.constant 0 : i32
      %dma_wait3A_30 = tpu.memref_slice %arg7[%dma_wait3A, %dma_wait3A_29] : memref<40x128xi32, #tpu.memory_space<vmem>> -> memref<1x128xi32, #tpu.memory_space<vmem>>
      %dma_wait3A_31 = tpu.memref_squeeze %dma_wait3A_30 : memref<1x128xi32, #tpu.memory_space<vmem>> -> memref<128xi32, #tpu.memory_space<vmem>>
      %dma_wait3A_32 = arith.constant 0 : i32
      %dma_wait3A_33 = arith.constant 0 : i32
      %dma_wait3A_34 = tpu.memref_slice %arg2[%dma_wait3A_32, %dma_wait3A_33] : memref<40960x128xf32, #tpu.memory_space<hbm>> -> memref<40960x128xf32, #tpu.memory_space<hbm>>
      tpu.wait_indirect_dma semaphore(%arg12 : memref<!tpu.dma_semaphore, #tpu.memory_space<semaphore_mem>>) src(%dma_wait3A_34 : memref<40960x128xf32, #tpu.memory_space<hbm>>) dst(%arg10 : memref<128x128xf32, #tpu.memory_space<vmem>>)
      %mul3A_35 = arith.constant 2 : i32
      %mul3A_36 = arith.muli %scan3A_28, %mul3A_35 : i32
      %add3A_37 = arith.constant 0 : i32
      %add3A_38 = arith.addi %mul3A_36, %add3A_37 : i32
      %dma_start3A_39 = arith.constant 0 : i32
      %dma_start3A_40 = tpu.memref_slice %arg8[%add3A_38, %dma_start3A_39] : memref<40x128xi32, #tpu.memory_space<vmem>> -> memref<1x128xi32, #tpu.memory_space<vmem>>
      %dma_start3A_41 = tpu.memref_squeeze %dma_start3A_40 : memref<1x128xi32, #tpu.memory_space<vmem>> -> memref<128xi32, #tpu.memory_space<vmem>>
      %dma_start3A_42 = arith.constant 0 : i32
      %dma_start3A_43 = arith.constant 0 : i32
      %dma_start3A_44 = tpu.memref_slice %arg9[%dma_start3A_42, %dma_start3A_43] : memref<10240x128xf32, #tpu.memory_space<vmem_shared>> -> memref<10240x128xf32, #tpu.memory_space<vmem_shared>>
      tpu.enqueue_indirect_dma source(%arg10 : memref<128x128xf32, #tpu.memory_space<vmem>>) target(%dma_start3A_44 : memref<10240x128xf32, #tpu.memory_space<vmem_shared>>) offsets(%dma_start3A_41 : memref<128xi32, #tpu.memory_space<vmem>>) semaphore(%arg14 : memref<!tpu.dma_semaphore, #tpu.memory_space<semaphore_mem>>) {add = true}
      %dma_wait3A_45 = arith.constant 0 : i32
      %dma_wait3A_46 = arith.constant 0 : i32
      %dma_wait3A_47 = tpu.memref_slice %arg7[%dma_wait3A_45, %dma_wait3A_46] : memref<40x128xi32, #tpu.memory_space<vmem>> -> memref<1x128xi32, #tpu.memory_space<vmem>>
      %dma_wait3A_48 = tpu.memref_squeeze %dma_wait3A_47 : memref<1x128xi32, #tpu.memory_space<vmem>> -> memref<128xi32, #tpu.memory_space<vmem>>
      %dma_wait3A_49 = arith.constant 0 : i32
      %dma_wait3A_50 = arith.constant 0 : i32
      %dma_wait3A_51 = tpu.memref_slice %arg2[%dma_wait3A_49, %dma_wait3A_50] : memref<40960x128xf32, #tpu.memory_space<hbm>> -> memref<40960x128xf32, #tpu.memory_space<hbm>>
      tpu.wait_indirect_dma semaphore(%arg13 : memref<!tpu.dma_semaphore, #tpu.memory_space<semaphore_mem>>) src(%dma_wait3A_51 : memref<40960x128xf32, #tpu.memory_space<hbm>>) dst(%arg11 : memref<128x128xf32, #tpu.memory_space<vmem>>)
      %mul3A_52 = arith.constant 2 : i32
      %mul3A_53 = arith.muli %scan3A_28, %mul3A_52 : i32
      %add3A_54 = arith.constant 1 : i32
      %add3A_55 = arith.addi %mul3A_53, %add3A_54 : i32
      %dma_start3A_56 = arith.constant 0 : i32
      %dma_start3A_57 = tpu.memref_slice %arg8[%add3A_55, %dma_start3A_56] : memref<40x128xi32, #tpu.memory_space<vmem>> -> memref<1x128xi32, #tpu.memory_space<vmem>>
      %dma_start3A_58 = tpu.memref_squeeze %dma_start3A_57 : memref<1x128xi32, #tpu.memory_space<vmem>> -> memref<128xi32, #tpu.memory_space<vmem>>
      %dma_start3A_59 = arith.constant 0 : i32
      %dma_start3A_60 = arith.constant 0 : i32
      %dma_start3A_61 = tpu.memref_slice %arg9[%dma_start3A_59, %dma_start3A_60] : memref<10240x128xf32, #tpu.memory_space<vmem_shared>> -> memref<10240x128xf32, #tpu.memory_space<vmem_shared>>
      tpu.enqueue_indirect_dma source(%arg11 : memref<128x128xf32, #tpu.memory_space<vmem>>) target(%dma_start3A_61 : memref<10240x128xf32, #tpu.memory_space<vmem_shared>>) offsets(%dma_start3A_58 : memref<128xi32, #tpu.memory_space<vmem>>) semaphore(%arg15 : memref<!tpu.dma_semaphore, #tpu.memory_space<semaphore_mem>>) {add = true}
      %dma_wait3A_62 = arith.constant 0 : i32
      %dma_wait3A_63 = arith.constant 0 : i32
      %dma_wait3A_64 = tpu.memref_slice %arg8[%dma_wait3A_62, %dma_wait3A_63] : memref<40x128xi32, #tpu.memory_space<vmem>> -> memref<1x128xi32, #tpu.memory_space<vmem>>
      %dma_wait3A_65 = tpu.memref_squeeze %dma_wait3A_64 : memref<1x128xi32, #tpu.memory_space<vmem>> -> memref<128xi32, #tpu.memory_space<vmem>>
      %dma_wait3A_66 = arith.constant 0 : i32
      %dma_wait3A_67 = arith.constant 0 : i32
      %dma_wait3A_68 = tpu.memref_slice %arg9[%dma_wait3A_66, %dma_wait3A_67] : memref<10240x128xf32, #tpu.memory_space<vmem_shared>> -> memref<10240x128xf32, #tpu.memory_space<vmem_shared>>
      tpu.wait_indirect_dma semaphore(%arg14 : memref<!tpu.dma_semaphore, #tpu.memory_space<semaphore_mem>>) src(%arg10 : memref<128x128xf32, #tpu.memory_space<vmem>>) dst(%dma_wait3A_68 : memref<10240x128xf32, #tpu.memory_space<vmem_shared>>)
      %add3A_69 = arith.constant 1 : i32
      %add3A_70 = arith.addi %scan3A_28, %add3A_69 : i32
      %lt3A = arith.constant 20 : i32
      %lt3A_71 = arith.cmpi slt, %add3A_70, %lt3A : i32
      %convert_element_type3A = arith.extui %lt3A_71 : i1 to i32
      %cond3A = arith.constant 0 : i32
      %cond3A_72 = arith.cmpi ne, %convert_element_type3A, %cond3A : i32
      scf.if %cond3A_72 {
        %add3A_87 = arith.constant 1 : i32
        %add3A_88 = arith.addi %scan3A_28, %add3A_87 : i32
        %mul3A_89 = arith.constant 2 : i32
        %mul3A_90 = arith.muli %add3A_88, %mul3A_89 : i32
        %add3A_91 = arith.constant 0 : i32
        %add3A_92 = arith.addi %mul3A_90, %add3A_91 : i32
        %dma_start3A_93 = arith.constant 0 : i32
        %dma_start3A_94 = tpu.memref_slice %arg7[%add3A_92, %dma_start3A_93] : memref<40x128xi32, #tpu.memory_space<vmem>> -> memref<1x128xi32, #tpu.memory_space<vmem>>
        %dma_start3A_95 = tpu.memref_squeeze %dma_start3A_94 : memref<1x128xi32, #tpu.memory_space<vmem>> -> memref<128xi32, #tpu.memory_space<vmem>>
        %dma_start3A_96 = arith.constant 0 : i32
        %dma_start3A_97 = arith.constant 0 : i32
        %dma_start3A_98 = tpu.memref_slice %arg2[%dma_start3A_96, %dma_start3A_97] : memref<40960x128xf32, #tpu.memory_space<hbm>> -> memref<40960x128xf32, #tpu.memory_space<hbm>>
        tpu.enqueue_indirect_dma source(%dma_start3A_98 : memref<40960x128xf32, #tpu.memory_space<hbm>>) target(%arg10 : memref<128x128xf32, #tpu.memory_space<vmem>>) offsets(%dma_start3A_95 : memref<128xi32, #tpu.memory_space<vmem>>) semaphore(%arg12 : memref<!tpu.dma_semaphore, #tpu.memory_space<semaphore_mem>>)
      } else {
      }
      %dma_wait3A_73 = arith.constant 0 : i32
      %dma_wait3A_74 = arith.constant 0 : i32
      %dma_wait3A_75 = tpu.memref_slice %arg8[%dma_wait3A_73, %dma_wait3A_74] : memref<40x128xi32, #tpu.memory_space<vmem>> -> memref<1x128xi32, #tpu.memory_space<vmem>>
      %dma_wait3A_76 = tpu.memref_squeeze %dma_wait3A_75 : memref<1x128xi32, #tpu.memory_space<vmem>> -> memref<128xi32, #tpu.memory_space<vmem>>
      %dma_wait3A_77 = arith.constant 0 : i32
      %dma_wait3A_78 = arith.constant 0 : i32
      %dma_wait3A_79 = tpu.memref_slice %arg9[%dma_wait3A_77, %dma_wait3A_78] : memref<10240x128xf32, #tpu.memory_space<vmem_shared>> -> memref<10240x128xf32, #tpu.memory_space<vmem_shared>>
      tpu.wait_indirect_dma semaphore(%arg15 : memref<!tpu.dma_semaphore, #tpu.memory_space<semaphore_mem>>) src(%arg11 : memref<128x128xf32, #tpu.memory_space<vmem>>) dst(%dma_wait3A_79 : memref<10240x128xf32, #tpu.memory_space<vmem_shared>>)
      %add3A_80 = arith.constant 1 : i32
      %add3A_81 = arith.addi %scan3A_28, %add3A_80 : i32
      %lt3A_82 = arith.constant 20 : i32
      %lt3A_83 = arith.cmpi slt, %add3A_81, %lt3A_82 : i32
      %convert_element_type3A_84 = arith.extui %lt3A_83 : i1 to i32
      %cond3A_85 = arith.constant 0 : i32
      %cond3A_86 = arith.cmpi ne, %convert_element_type3A_84, %cond3A_85 : i32
      scf.if %cond3A_86 {
        %add3A_87 = arith.constant 1 : i32
        %add3A_88 = arith.addi %scan3A_28, %add3A_87 : i32
        %mul3A_89 = arith.constant 2 : i32
        %mul3A_90 = arith.muli %add3A_88, %mul3A_89 : i32
        %add3A_91 = arith.constant 1 : i32
        %add3A_92 = arith.addi %mul3A_90, %add3A_91 : i32
        %dma_start3A_93 = arith.constant 0 : i32
        %dma_start3A_94 = tpu.memref_slice %arg7[%add3A_92, %dma_start3A_93] : memref<40x128xi32, #tpu.memory_space<vmem>> -> memref<1x128xi32, #tpu.memory_space<vmem>>
        %dma_start3A_95 = tpu.memref_squeeze %dma_start3A_94 : memref<1x128xi32, #tpu.memory_space<vmem>> -> memref<128xi32, #tpu.memory_space<vmem>>
        %dma_start3A_96 = arith.constant 0 : i32
        %dma_start3A_97 = arith.constant 0 : i32
        %dma_start3A_98 = tpu.memref_slice %arg2[%dma_start3A_96, %dma_start3A_97] : memref<40960x128xf32, #tpu.memory_space<hbm>> -> memref<40960x128xf32, #tpu.memory_space<hbm>>
        tpu.enqueue_indirect_dma source(%dma_start3A_98 : memref<40960x128xf32, #tpu.memory_space<hbm>>) target(%arg11 : memref<128x128xf32, #tpu.memory_space<vmem>>) offsets(%dma_start3A_95 : memref<128xi32, #tpu.memory_space<vmem>>) semaphore(%arg13 : memref<!tpu.dma_semaphore, #tpu.memory_space<semaphore_mem>>)
      } else {
      }
    }
    %scan3A_22 = arith.constant 20 : i32
    %barrier3A_23 = arith.constant 0 : index
    tpu.barrier barrier_id(%barrier3A_23)
    %mul3A_24 = arith.constant 640 : i32
    %mul3A_25 = arith.muli %arg1, %mul3A_24 : i32
    %mul3A_26 = arith.constant 640 : i32
    %mul3A_27 = arith.muli %arg1, %mul3A_26 : i32
    "tpu.region"() ({
      %run_scoped3A = tpu.sem_alloc : memref<!tpu.dma_semaphore, #tpu.memory_space<semaphore_mem>>
      %dma_start3A_28 = arith.constant 0 : i32
      %dma_start3A_29 = tpu.memref_slice %arg6[%arg0, %mul3A_27, %dma_start3A_28] : memref<2x10240x128xf32, #tpu.memory_space<hbm>> -> memref<1x640x128xf32, #tpu.memory_space<hbm>>
      %dma_start3A_30 = tpu.memref_squeeze %dma_start3A_29 : memref<1x640x128xf32, #tpu.memory_space<hbm>> -> memref<640x128xf32, #tpu.memory_space<hbm>>
      %dma_start3A_31 = arith.constant 0 : i32
      %dma_start3A_32 = tpu.memref_slice %arg9[%mul3A_25, %dma_start3A_31] : memref<10240x128xf32, #tpu.memory_space<vmem_shared>> -> memref<640x128xf32, #tpu.memory_space<vmem_shared>>
      tpu.enqueue_dma source(%dma_start3A_32 : memref<640x128xf32, #tpu.memory_space<vmem_shared>>) target(%dma_start3A_30 : memref<640x128xf32, #tpu.memory_space<hbm>>) target_semaphore(%run_scoped3A : memref<!tpu.dma_semaphore, #tpu.memory_space<semaphore_mem>>)
      %dma_wait3A = arith.constant 0 : i32
      %dma_wait3A_33 = tpu.memref_slice %arg6[%arg0, %mul3A_27, %dma_wait3A] : memref<2x10240x128xf32, #tpu.memory_space<hbm>> -> memref<1x640x128xf32, #tpu.memory_space<hbm>>
      %dma_wait3A_34 = tpu.memref_squeeze %dma_wait3A_33 : memref<1x640x128xf32, #tpu.memory_space<hbm>> -> memref<640x128xf32, #tpu.memory_space<hbm>>
      %dma_wait3A_35 = arith.constant 0 : i32
      %dma_wait3A_36 = tpu.memref_slice %arg9[%mul3A_25, %dma_wait3A_35] : memref<10240x128xf32, #tpu.memory_space<vmem_shared>> -> memref<640x128xf32, #tpu.memory_space<vmem_shared>>
      tpu.wait_dma2 semaphore(%run_scoped3A : memref<!tpu.dma_semaphore, #tpu.memory_space<semaphore_mem>>) src(%dma_wait3A_36 : memref<640x128xf32, #tpu.memory_space<vmem_shared>>) dst(%dma_wait3A_34 : memref<640x128xf32, #tpu.memory_space<hbm>>)
      tpu.yield
    }) : () -> ()
    return
  }
}

module attributes {stable_mosaic.version = 14 : i64} {
  func.func @_tfirst_body(%arg0: i32, %arg1: memref<1024x128xf32, #tpu.memory_space<vmem>>, %arg2: memref<4x128x128xf32, #tpu.memory_space<vmem>>, %arg3: memref<4x1024x128xf32, #tpu.memory_space<vmem>>) attributes {dimension_semantics = [#tpu.dimension_semantics<arbitrary>], iteration_bounds = array<i64: 10>, scalar_prefetch = 0 : i64, scratch_operands = 0 : i64, tpu.core_type = #tpu.core_type<tc>, window_params = [{transform_indices = @transform_0, window_bounds = array<i64: 1024, 128>}, {pipeline_mode = #tpu.pipeline_mode<synchronous>, transform_indices = @transform_1, window_bounds = array<i64: 4, 128, 128>}, {transform_indices = @transform_2, window_bounds = array<i64: 4, 1024, 128>}]} {
    %get3A = arith.constant 0 : index
    %get3A_0 = arith.constant 0 : index
    %get3A_1 = vector.load %arg1[%get3A, %get3A_0] : memref<1024x128xf32, #tpu.memory_space<vmem>>, vector<1024x128xf32>
    %get3A_2 = arith.constant 0 : index
    %get3A_3 = arith.constant 0 : index
    %get3A_4 = arith.constant 0 : index
    %get3A_5 = vector.load %arg2[%get3A_2, %get3A_3, %get3A_4] : memref<4x128x128xf32, #tpu.memory_space<vmem>>, vector<1x128x128xf32>
    %get3A_6 = vector.shape_cast %get3A_5 : vector<1x128x128xf32> to vector<128x128xf32>
    %dot_general3A = arith.constant dense<0.000000e+00> : vector<1024x128xf32>
    %dot_general3A_7 = tpu.matmul %get3A_1, %get3A_6, %dot_general3A {dimension_numbers = #tpu.dot_dimension_numbers<[1], [0], [0], [1], [0, 0, 1, 1], [], []>, transpose_lhs_hint = false} : vector<1024x128xf32>, vector<128x128xf32>, vector<1024x128xf32> -> vector<1024x128xf32>
    %swap3A = arith.constant 0 : index
    %swap3A_8 = arith.constant 0 : index
    %swap3A_9 = arith.constant 0 : index
    %swap3A_10 = vector.load %arg3[%swap3A, %swap3A_8, %swap3A_9] : memref<4x1024x128xf32, #tpu.memory_space<vmem>>, vector<1x1024x128xf32>
    %swap3A_11 = vector.shape_cast %swap3A_10 : vector<1x1024x128xf32> to vector<1024x128xf32>
    %swap3A_12 = vector.shape_cast %dot_general3A_7 : vector<1024x128xf32> to vector<1x1024x128xf32>
    tpu.vector_store %arg3[%swap3A, %swap3A_8, %swap3A_9], %swap3A_12 {strides = array<i32>} : memref<4x1024x128xf32, #tpu.memory_space<vmem>>, vector<1x1024x128xf32>,
    %get3A_13 = arith.constant 1 : index
    %get3A_14 = arith.constant 0 : index
    %get3A_15 = arith.constant 0 : index
    %get3A_16 = vector.load %arg2[%get3A_13, %get3A_14, %get3A_15] : memref<4x128x128xf32, #tpu.memory_space<vmem>>, vector<1x128x128xf32>
    %get3A_17 = vector.shape_cast %get3A_16 : vector<1x128x128xf32> to vector<128x128xf32>
    %dot_general3A_18 = arith.constant dense<0.000000e+00> : vector<1024x128xf32>
    %dot_general3A_19 = tpu.matmul %get3A_1, %get3A_17, %dot_general3A_18 {dimension_numbers = #tpu.dot_dimension_numbers<[1], [0], [0], [1], [0, 0, 1, 1], [], []>, transpose_lhs_hint = false} : vector<1024x128xf32>, vector<128x128xf32>, vector<1024x128xf32> -> vector<1024x128xf32>
    %swap3A_20 = arith.constant 1 : index
    %swap3A_21 = arith.constant 0 : index
    %swap3A_22 = arith.constant 0 : index
    %swap3A_23 = vector.load %arg3[%swap3A_20, %swap3A_21, %swap3A_22] : memref<4x1024x128xf32, #tpu.memory_space<vmem>>, vector<1x1024x128xf32>
    %swap3A_24 = vector.shape_cast %swap3A_23 : vector<1x1024x128xf32> to vector<1024x128xf32>
    %swap3A_25 = vector.shape_cast %dot_general3A_19 : vector<1024x128xf32> to vector<1x1024x128xf32>
    tpu.vector_store %arg3[%swap3A_20, %swap3A_21, %swap3A_22], %swap3A_25 {strides = array<i32>} : memref<4x1024x128xf32, #tpu.memory_space<vmem>>, vector<1x1024x128xf32>,
    %get3A_26 = arith.constant 2 : index
    %get3A_27 = arith.constant 0 : index
    %get3A_28 = arith.constant 0 : index
    %get3A_29 = vector.load %arg2[%get3A_26, %get3A_27, %get3A_28] : memref<4x128x128xf32, #tpu.memory_space<vmem>>, vector<1x128x128xf32>
    %get3A_30 = vector.shape_cast %get3A_29 : vector<1x128x128xf32> to vector<128x128xf32>
    %dot_general3A_31 = arith.constant dense<0.000000e+00> : vector<1024x128xf32>
    %dot_general3A_32 = tpu.matmul %get3A_1, %get3A_30, %dot_general3A_31 {dimension_numbers = #tpu.dot_dimension_numbers<[1], [0], [0], [1], [0, 0, 1, 1], [], []>, transpose_lhs_hint = false} : vector<1024x128xf32>, vector<128x128xf32>, vector<1024x128xf32> -> vector<1024x128xf32>
    %swap3A_33 = arith.constant 2 : index
    %swap3A_34 = arith.constant 0 : index
    %swap3A_35 = arith.constant 0 : index
    %swap3A_36 = vector.load %arg3[%swap3A_33, %swap3A_34, %swap3A_35] : memref<4x1024x128xf32, #tpu.memory_space<vmem>>, vector<1x1024x128xf32>
    %swap3A_37 = vector.shape_cast %swap3A_36 : vector<1x1024x128xf32> to vector<1024x128xf32>
    %swap3A_38 = vector.shape_cast %dot_general3A_32 : vector<1024x128xf32> to vector<1x1024x128xf32>
    tpu.vector_store %arg3[%swap3A_33, %swap3A_34, %swap3A_35], %swap3A_38 {strides = array<i32>} : memref<4x1024x128xf32, #tpu.memory_space<vmem>>, vector<1x1024x128xf32>,
    %get3A_39 = arith.constant 3 : index
    %get3A_40 = arith.constant 0 : index
    %get3A_41 = arith.constant 0 : index
    %get3A_42 = vector.load %arg2[%get3A_39, %get3A_40, %get3A_41] : memref<4x128x128xf32, #tpu.memory_space<vmem>>, vector<1x128x128xf32>
    %get3A_43 = vector.shape_cast %get3A_42 : vector<1x128x128xf32> to vector<128x128xf32>
    %dot_general3A_44 = arith.constant dense<0.000000e+00> : vector<1024x128xf32>
    %dot_general3A_45 = tpu.matmul %get3A_1, %get3A_43, %dot_general3A_44 {dimension_numbers = #tpu.dot_dimension_numbers<[1], [0], [0], [1], [0, 0, 1, 1], [], []>, transpose_lhs_hint = false} : vector<1024x128xf32>, vector<128x128xf32>, vector<1024x128xf32> -> vector<1024x128xf32>
    %swap3A_46 = arith.constant 3 : index
    %swap3A_47 = arith.constant 0 : index
    %swap3A_48 = arith.constant 0 : index
    %swap3A_49 = vector.load %arg3[%swap3A_46, %swap3A_47, %swap3A_48] : memref<4x1024x128xf32, #tpu.memory_space<vmem>>, vector<1x1024x128xf32>
    %swap3A_50 = vector.shape_cast %swap3A_49 : vector<1x1024x128xf32> to vector<1024x128xf32>
    %swap3A_51 = vector.shape_cast %dot_general3A_45 : vector<1024x128xf32> to vector<1x1024x128xf32>
    tpu.vector_store %arg3[%swap3A_46, %swap3A_47, %swap3A_48], %swap3A_51 {strides = array<i32>} : memref<4x1024x128xf32, #tpu.memory_space<vmem>>, vector<1x1024x128xf32>,
    return
  }
  func.func @transform_0(%arg0: i32) -> (i32, i32) {
    %c0_i32 = arith.constant 0 : i32
    %c0_i32_0 = arith.constant 0 : i32
    return %arg0, %c0_i32 : i32, i32
  }
  func.func @transform_1(%arg0: i32) -> (i32, i32, i32) {
    %c0_i32 = arith.constant 0 : i32
    %c0_i32_0 = arith.constant 0 : i32
    %c0_i32_1 = arith.constant 0 : i32
    %c0_i32_2 = arith.constant 0 : i32
    return %c0_i32, %c0_i32_0, %c0_i32_1 : i32, i32, i32
  }
  func.func @transform_2(%arg0: i32) -> (i32, i32, i32) {
    %c0_i32 = arith.constant 0 : i32
    %c0_i32_0 = arith.constant 0 : i32
    %c0_i32_1 = arith.constant 0 : i32
    return %c0_i32, %arg0, %c0_i32_0 : i32, i32, i32
  }
}

module attributes {stable_mosaic.version = 14 : i64} {
  func.func @_tmid_body(%arg0: i32, %arg1: memref<2x1024x128xf32, #tpu.memory_space<vmem>>, %arg2: memref<4x128x128xf32, #tpu.memory_space<vmem>>, %arg3: memref<4x1024x128xf32, #tpu.memory_space<vmem>>) attributes {dimension_semantics = [#tpu.dimension_semantics<arbitrary>], iteration_bounds = array<i64: 10>, scalar_prefetch = 0 : i64, scratch_operands = 0 : i64, tpu.core_type = #tpu.core_type<tc>, window_params = [{transform_indices = @transform_0, window_bounds = array<i64: 2, 1024, 128>}, {pipeline_mode = #tpu.pipeline_mode<synchronous>, transform_indices = @transform_1, window_bounds = array<i64: 4, 128, 128>}, {transform_indices = @transform_2, window_bounds = array<i64: 4, 1024, 128>}]} {
    %get3A = arith.constant 0 : index
    %get3A_0 = arith.constant 0 : index
    %get3A_1 = arith.constant 0 : index
    %get3A_2 = vector.load %arg1[%get3A, %get3A_0, %get3A_1] : memref<2x1024x128xf32, #tpu.memory_space<vmem>>, vector<1x1024x128xf32>
    %get3A_3 = vector.shape_cast %get3A_2 : vector<1x1024x128xf32> to vector<1024x128xf32>
    %get3A_4 = arith.constant 1 : index
    %get3A_5 = arith.constant 0 : index
    %get3A_6 = arith.constant 0 : index
    %get3A_7 = vector.load %arg1[%get3A_4, %get3A_5, %get3A_6] : memref<2x1024x128xf32, #tpu.memory_space<vmem>>, vector<1x1024x128xf32>
    %get3A_8 = vector.shape_cast %get3A_7 : vector<1x1024x128xf32> to vector<1024x128xf32>
    %add3A = arith.addf %get3A_3, %get3A_8 : vector<1024x128xf32>
    %max3A = arith.constant 0.000000e+00 : f32
    %max3A_9 = vector.broadcast %max3A : f32 to vector<1024x128xf32>
    %max3A_10 = arith.maximumf %add3A, %max3A_9 : vector<1024x128xf32>
    %get3A_11 = arith.constant 0 : index
    %get3A_12 = arith.constant 0 : index
    %get3A_13 = arith.constant 0 : index
    %get3A_14 = vector.load %arg2[%get3A_11, %get3A_12, %get3A_13] : memref<4x128x128xf32, #tpu.memory_space<vmem>>, vector<1x128x128xf32>
    %get3A_15 = vector.shape_cast %get3A_14 : vector<1x128x128xf32> to vector<128x128xf32>
    %dot_general3A = arith.constant dense<0.000000e+00> : vector<1024x128xf32>
    %dot_general3A_16 = tpu.matmul %max3A_10, %get3A_15, %dot_general3A {dimension_numbers = #tpu.dot_dimension_numbers<[1], [0], [0], [1], [0, 0, 1, 1], [], []>, transpose_lhs_hint = false} : vector<1024x128xf32>, vector<128x128xf32>, vector<1024x128xf32> -> vector<1024x128xf32>
    %swap3A = arith.constant 0 : index
    %swap3A_17 = arith.constant 0 : index
    %swap3A_18 = arith.constant 0 : index
    %swap3A_19 = vector.load %arg3[%swap3A, %swap3A_17, %swap3A_18] : memref<4x1024x128xf32, #tpu.memory_space<vmem>>, vector<1x1024x128xf32>
    %swap3A_20 = vector.shape_cast %swap3A_19 : vector<1x1024x128xf32> to vector<1024x128xf32>
    %swap3A_21 = vector.shape_cast %dot_general3A_16 : vector<1024x128xf32> to vector<1x1024x128xf32>
    tpu.vector_store %arg3[%swap3A, %swap3A_17, %swap3A_18], %swap3A_21 {strides = array<i32>} : memref<4x1024x128xf32, #tpu.memory_space<vmem>>, vector<1x1024x128xf32>,
    %get3A_22 = arith.constant 1 : index
    %get3A_23 = arith.constant 0 : index
    %get3A_24 = arith.constant 0 : index
    %get3A_25 = vector.load %arg2[%get3A_22, %get3A_23, %get3A_24] : memref<4x128x128xf32, #tpu.memory_space<vmem>>, vector<1x128x128xf32>
    %get3A_26 = vector.shape_cast %get3A_25 : vector<1x128x128xf32> to vector<128x128xf32>
    %dot_general3A_27 = arith.constant dense<0.000000e+00> : vector<1024x128xf32>
    %dot_general3A_28 = tpu.matmul %max3A_10, %get3A_26, %dot_general3A_27 {dimension_numbers = #tpu.dot_dimension_numbers<[1], [0], [0], [1], [0, 0, 1, 1], [], []>, transpose_lhs_hint = false} : vector<1024x128xf32>, vector<128x128xf32>, vector<1024x128xf32> -> vector<1024x128xf32>
    %swap3A_29 = arith.constant 1 : index
    %swap3A_30 = arith.constant 0 : index
    %swap3A_31 = arith.constant 0 : index
    %swap3A_32 = vector.load %arg3[%swap3A_29, %swap3A_30, %swap3A_31] : memref<4x1024x128xf32, #tpu.memory_space<vmem>>, vector<1x1024x128xf32>
    %swap3A_33 = vector.shape_cast %swap3A_32 : vector<1x1024x128xf32> to vector<1024x128xf32>
    %swap3A_34 = vector.shape_cast %dot_general3A_28 : vector<1024x128xf32> to vector<1x1024x128xf32>
    tpu.vector_store %arg3[%swap3A_29, %swap3A_30, %swap3A_31], %swap3A_34 {strides = array<i32>} : memref<4x1024x128xf32, #tpu.memory_space<vmem>>, vector<1x1024x128xf32>,
    %get3A_35 = arith.constant 2 : index
    %get3A_36 = arith.constant 0 : index
    %get3A_37 = arith.constant 0 : index
    %get3A_38 = vector.load %arg2[%get3A_35, %get3A_36, %get3A_37] : memref<4x128x128xf32, #tpu.memory_space<vmem>>, vector<1x128x128xf32>
    %get3A_39 = vector.shape_cast %get3A_38 : vector<1x128x128xf32> to vector<128x128xf32>
    %dot_general3A_40 = arith.constant dense<0.000000e+00> : vector<1024x128xf32>
    %dot_general3A_41 = tpu.matmul %max3A_10, %get3A_39, %dot_general3A_40 {dimension_numbers = #tpu.dot_dimension_numbers<[1], [0], [0], [1], [0, 0, 1, 1], [], []>, transpose_lhs_hint = false} : vector<1024x128xf32>, vector<128x128xf32>, vector<1024x128xf32> -> vector<1024x128xf32>
    %swap3A_42 = arith.constant 2 : index
    %swap3A_43 = arith.constant 0 : index
    %swap3A_44 = arith.constant 0 : index
    %swap3A_45 = vector.load %arg3[%swap3A_42, %swap3A_43, %swap3A_44] : memref<4x1024x128xf32, #tpu.memory_space<vmem>>, vector<1x1024x128xf32>
    %swap3A_46 = vector.shape_cast %swap3A_45 : vector<1x1024x128xf32> to vector<1024x128xf32>
    %swap3A_47 = vector.shape_cast %dot_general3A_41 : vector<1024x128xf32> to vector<1x1024x128xf32>
    tpu.vector_store %arg3[%swap3A_42, %swap3A_43, %swap3A_44], %swap3A_47 {strides = array<i32>} : memref<4x1024x128xf32, #tpu.memory_space<vmem>>, vector<1x1024x128xf32>,
    %get3A_48 = arith.constant 3 : index
    %get3A_49 = arith.constant 0 : index
    %get3A_50 = arith.constant 0 : index
    %get3A_51 = vector.load %arg2[%get3A_48, %get3A_49, %get3A_50] : memref<4x128x128xf32, #tpu.memory_space<vmem>>, vector<1x128x128xf32>
    %get3A_52 = vector.shape_cast %get3A_51 : vector<1x128x128xf32> to vector<128x128xf32>
    %dot_general3A_53 = arith.constant dense<0.000000e+00> : vector<1024x128xf32>
    %dot_general3A_54 = tpu.matmul %max3A_10, %get3A_52, %dot_general3A_53 {dimension_numbers = #tpu.dot_dimension_numbers<[1], [0], [0], [1], [0, 0, 1, 1], [], []>, transpose_lhs_hint = false} : vector<1024x128xf32>, vector<128x128xf32>, vector<1024x128xf32> -> vector<1024x128xf32>
    %swap3A_55 = arith.constant 3 : index
    %swap3A_56 = arith.constant 0 : index
    %swap3A_57 = arith.constant 0 : index
    %swap3A_58 = vector.load %arg3[%swap3A_55, %swap3A_56, %swap3A_57] : memref<4x1024x128xf32, #tpu.memory_space<vmem>>, vector<1x1024x128xf32>
    %swap3A_59 = vector.shape_cast %swap3A_58 : vector<1x1024x128xf32> to vector<1024x128xf32>
    %swap3A_60 = vector.shape_cast %dot_general3A_54 : vector<1024x128xf32> to vector<1x1024x128xf32>
    tpu.vector_store %arg3[%swap3A_55, %swap3A_56, %swap3A_57], %swap3A_60 {strides = array<i32>} : memref<4x1024x128xf32, #tpu.memory_space<vmem>>, vector<1x1024x128xf32>,
    return
  }
  func.func @transform_0(%arg0: i32) -> (i32, i32, i32) {
    %c0_i32 = arith.constant 0 : i32
    %c0_i32_0 = arith.constant 0 : i32
    %c0_i32_1 = arith.constant 0 : i32
    return %c0_i32, %arg0, %c0_i32_0 : i32, i32, i32
  }
  func.func @transform_1(%arg0: i32) -> (i32, i32, i32) {
    %c0_i32 = arith.constant 0 : i32
    %c0_i32_0 = arith.constant 0 : i32
    %c0_i32_1 = arith.constant 0 : i32
    %c0_i32_2 = arith.constant 0 : i32
    return %c0_i32, %c0_i32_0, %c0_i32_1 : i32, i32, i32
  }
  func.func @transform_2(%arg0: i32) -> (i32, i32, i32) {
    %c0_i32 = arith.constant 0 : i32
    %c0_i32_0 = arith.constant 0 : i32
    %c0_i32_1 = arith.constant 0 : i32
    return %c0_i32, %arg0, %c0_i32_0 : i32, i32, i32
  }
}

module attributes {stable_mosaic.version = 14 : i64} {
  func.func @_softmax_body(%arg0: i32, %arg1: memref<2x1024x128xf32, #tpu.memory_space<vmem>>, %arg2: memref<1024x32xf32, #tpu.memory_space<vmem>>) attributes {dimension_semantics = [#tpu.dimension_semantics<arbitrary>], iteration_bounds = array<i64: 10>, scalar_prefetch = 0 : i64, scratch_operands = 0 : i64, tpu.core_type = #tpu.core_type<tc>, window_params = [{transform_indices = @transform_0, window_bounds = array<i64: 2, 1024, 128>}, {transform_indices = @transform_1, window_bounds = array<i64: 1024, 32>}]} {
    %get3A = arith.constant 0 : index
    %get3A_0 = arith.constant 0 : index
    %get3A_1 = arith.constant 0 : index
    %get3A_2 = vector.load %arg1[%get3A, %get3A_0, %get3A_1] : memref<2x1024x128xf32, #tpu.memory_space<vmem>>, vector<1x1024x128xf32>
    %get3A_3 = vector.shape_cast %get3A_2 : vector<1x1024x128xf32> to vector<1024x128xf32>
    %slice3A = vector.extract_strided_slice %get3A_3 {offsets = [0, 0], sizes = [1024, 32], strides = [1, 1]} : vector<1024x128xf32> to vector<1024x32xf32>
    %get3A_4 = arith.constant 1 : index
    %get3A_5 = arith.constant 0 : index
    %get3A_6 = arith.constant 0 : index
    %get3A_7 = vector.load %arg1[%get3A_4, %get3A_5, %get3A_6] : memref<2x1024x128xf32, #tpu.memory_space<vmem>>, vector<1x1024x128xf32>
    %get3A_8 = vector.shape_cast %get3A_7 : vector<1x1024x128xf32> to vector<1024x128xf32>
    %slice3A_9 = vector.extract_strided_slice %get3A_8 {offsets = [0, 0], sizes = [1024, 32], strides = [1, 1]} : vector<1024x128xf32> to vector<1024x32xf32>
    %add3A = arith.addf %slice3A, %slice3A_9 : vector<1024x32xf32>
    %reduce_max3A = arith.constant dense<0xFF800000> : vector<1024xf32>
    %reduce_max3A_10 = vector.multi_reduction <maximumf>, %add3A, %reduce_max3A [1] : vector<1024x32xf32> to vector<1024xf32>
    %broadcast_in_dim3A = vector.shape_cast %reduce_max3A_10 : vector<1024xf32> to vector<1024x1xf32>
    %sub3A = vector.broadcast %broadcast_in_dim3A : vector<1024x1xf32> to vector<1024x32xf32>
    %sub3A_11 = arith.subf %add3A, %sub3A : vector<1024x32xf32>
    %exp3A = math.exp %sub3A_11 : vector<1024x32xf32>
    %reduce_sum3A = arith.constant dense<0.000000e+00> : vector<1024xf32>
    %reduce_sum3A_12 = vector.multi_reduction <add>, %exp3A, %reduce_sum3A [1] : vector<1024x32xf32> to vector<1024xf32>
    %broadcast_in_dim3A_13 = vector.shape_cast %reduce_sum3A_12 : vector<1024xf32> to vector<1024x1xf32>
    %div3A = vector.broadcast %broadcast_in_dim3A_13 : vector<1024x1xf32> to vector<1024x32xf32>
    %div3A_14 = arith.divf %exp3A, %div3A : vector<1024x32xf32>
    %swap3A = arith.constant 0 : index
    %swap3A_15 = arith.constant 0 : index
    %swap3A_16 = vector.load %arg2[%swap3A, %swap3A_15] : memref<1024x32xf32, #tpu.memory_space<vmem>>, vector<1024x32xf32>
    tpu.vector_store %arg2[%swap3A, %swap3A_15], %div3A_14 {strides = array<i32>} : memref<1024x32xf32, #tpu.memory_space<vmem>>, vector<1024x32xf32>,
    return
  }
  func.func @transform_0(%arg0: i32) -> (i32, i32, i32) {
    %c0_i32 = arith.constant 0 : i32
    %c0_i32_0 = arith.constant 0 : i32
    %c0_i32_1 = arith.constant 0 : i32
    return %c0_i32, %arg0, %c0_i32_0 : i32, i32, i32
  }
  func.func @transform_1(%arg0: i32) -> (i32, i32) {
    %c0_i32 = arith.constant 0 : i32
    %c0_i32_0 = arith.constant 0 : i32
    return %arg0, %c0_i32 : i32, i32
  }
}

</mosaic_0001>

<sc_bundles>
// kernel: kernel.10.cloned.1.call-start
scs
__scs_entry_jumppad:
0x0: {  	(pc) =	sbr.rel $0x88, $3  }
0x1: {  	(tag) =	ssettag $0x0;
	lr =	simm.s32 $0x1  }
0x2: {  	[smem:$0x3F97] =	sst lr;
	_ =	strace $0xD0000000  }
0x3: {  	_ = 	snop  }
0x4: {  	_ = 	snop  }
0x5: {  	_ = 	snop  }
0x6: {  	_ = 	snop  }
0x7: {  	_ = 	snop  }
__scs_overlays_trampoline_lowered:
0x8: {  	[smem:$0x3FA6] =	sst s0  }
0x9: {  	[smem:$0x3FA7] =	sst s1  }
0xa: {  	[smem:$0x3FA8] =	sst s2  }
0xb: {  	[smem:$0x3FA9] =	sst s3  }
0xc: {  	[smem:$0x3FAA] =	sst s4  }
0xd: {  	[smem:$0x3FAB] =	sst s5  }
0xe: {  	[smem:$0x3FAC] =	sst s6  }
0xf: {  	[smem:$0x3FAD] =	sst s7  }
0x10: {  	[smem:$0x3FAE] =	sst s8  }
0x11: {  	[smem:$0x3FAF] =	sst s9;
	s0 =	simm.s32 @!p0 $0x0  }
0x12: {  	s1 =	sld [smem:$0x3F95];
	s0 =	simm.s32 @p0 $0x1  }
0x13: {  	[smem:$0x3FB0] =	sst s0;
	s0 =	simm.s32 @!p1 $0x0  }
0x14: {  	s2 =	sld [smem:$0x3F94];
	s0 =	simm.s32 @p1 $0x1  }
0x15: {  	[smem:$0x3FB1] =	sst s0;
	s0 =	simm.s32 @!p2 $0x0  }
0x16: {  	s3 =	sld [smem:$0x3FDB];
	s0 =	simm.s32 @p2 $0x1  }
0x17: {  	s4 =	simm.s32 $0x1BF5;
	[smem:$0x3FB3] =	sst s0  }
0x18: {  	s0 =	sld [smem:$0x3F96];
	_ =	swait.ge [sflag:s4], $0x0  }
0x19: {  	s7 =	sld [smem:$0x3F97]  }
0x1a: {  	s8 =	sadd.s32 $0xFFFFE003, lr  }
0x1b: {  	s9 =	sadd.s32 $0xFFFFFEF7, lr;
	s5 =	simm.s32 $0xFFFFFFFF;
	p2 =	slt.u32 s8, $0xFFFFF086  }
0x1c: {  	p1 =	slt.u32 s9, $0xF7A;
	s5 =	simm.s32 @!p2 $0x0  }
0x1d: {  	s5 =	simm.s32 @p1 $0x1;
	p0 =	seq.s32 s7, s2  }
0x1e: {  	s7 =	smul.u32 @!p0 $0xF7A, s2;
	p2 =	seq.s32 @!p0 s5, $0x0  }
0x1f: {  	s9 =	smul.u32 $0xF7A, s1;
	s8 =	simm.s32 @!p0 $0x1BF5;
	p2 =	por !p2, p0  }
0x20: {  	[sflag:s8] =	ssyncset.s32 @!p0 $0xFFFFF086;
	s6 =	sadd.s32 @!p0 s3, s7;
	s7 =	simm.s32 @!p0 $0x108  }
0x21: {  	s3 =	sadd.s32 s3, s9;
	s6 =	sadd.s32 @!p0 $0x88, s6;
	s7 =	simm.s32 @p2 $0x1082  }
0x22: {  	[simem:s7], [sflag:s8] =	dma.local @!p0 [hbm:s6], $0xF7A  }
0x23: {  	s9 =	sor.u32 $0xD0000000, s2;
	s6 =	simm.s32 $0x108;
	_ =	swait.ge @!p0 [sflag:s8], $0x0  }
0x24: {  	s3 =	sadd.s32 $0x88, s3;
	s6 =	simm.s32 @!p1 $0x1082;
	[sflag:s4] =	ssyncset.s32 $0xFFFFF086  }
0x25: {  	[simem:s6], [sflag:s4] =	dma.local [hbm:s3], $0xF7A  }
0x26: {  	[smem:$0x3F97] =	sst s1;
	(tag) =	ssettag s2;
	_ =	strace s9  }
0x27: {  	s1 =	sld [smem:$0x3FA7]  }
0x28: {  	s2 =	sld [smem:$0x3FA8]  }
0x29: {  	s4 =	sld [smem:$0x3FAA]  }
0x2a: {  	p0 =	seq.s32 s5, $0x0;
	s5 =	sld [smem:$0x3FAB]  }
0x2b: {  	s6 =	sld [smem:$0x3FAC]  }
0x2c: {  	s7 =	sld [smem:$0x3FAD]  }
0x2d: {  	s3 =	simm.s32 $0x108;
	s8 =	sld [smem:$0x3FAE]  }
0x2e: {  	s3 =	simm.s32 @!p0 $0x1082;
	s9 =	sld [smem:$0x3FAF]  }
0x2f: {  	lr =	sadd.s32 s0, s3;
	s0 =	sld [smem:$0x3FA6]  }
0x30: {  	s3 =	sld [smem:$0x3FA9]  }
0x31: {  	[smem:$0x3FB2] =	sst s10  }
0x32: {  	s10 =	sld [smem:$0x3FB0];
	_ =	sdelay $0x3  }
0x33: {  	p0 =	seq.s32 s10, $0x1;
	s10 =	sld [smem:$0x3FB2];
	_ =	sdelay $0x3  }
0x34: {  	[smem:$0x3FB2] =	sst s10  }
0x35: {  	s10 =	sld [smem:$0x3FB1];
	_ =	sdelay $0x3  }
0x36: {  	p1 =	seq.s32 s10, $0x1;
	s10 =	sld [smem:$0x3FB2];
	_ =	sdelay $0x3  }
0x37: {  	[smem:$0x3FB2] =	sst s10  }
0x38: {  	s10 =	sld [smem:$0x3FB3]  }
0x39: {  	_ = 	snop;
	(pc) =	sbr.ind lr, $3  }
0x3a: {  	_ = 	snop  }
0x3b: {  	_ = 	snop  }
0x3c: {  	p2 =	seq.s32 s10, $0x1;
	s10 =	sld [smem:$0x3FB2]  }
0x3d: {  	_ =	shalt  }
0x3e: {  	_ =	shalt  }
0x3f: {  	_ =	shalt  }
0x40: {  	_ =	shalt  }
0x41: {  	_ =	shalt  }
0x42: {  	_ =	shalt  }
0x43: {  	_ =	shalt  }
0x44: {  	_ =	shalt  }
0x45: {  	_ =	shalt  }
0x46: {  	_ =	shalt  }
0x47: {  	_ =	shalt  }
0x48: {  	_ =	shalt  }
0x49: {  	_ =	shalt  }
0x4a: {  	_ =	shalt  }
0x4b: {  	_ =	shalt  }
0x4c: {  	_ =	shalt  }
0x4d: {  	_ =	shalt  }
0x4e: {  	_ =	shalt  }
0x4f: {  	_ =	shalt  }
0x50: {  	_ =	shalt  }
0x51: {  	_ =	shalt  }
0x52: {  	_ =	shalt  }
0x53: {  	_ =	shalt  }
0x54: {  	_ =	shalt  }
0x55: {  	_ =	shalt  }
0x56: {  	_ =	shalt  }
0x57: {  	_ =	shalt  }
0x58: {  	_ =	shalt  }
0x59: {  	_ =	shalt  }
0x5a: {  	_ =	shalt  }
0x5b: {  	_ =	shalt  }
0x5c: {  	_ =	shalt  }
0x5d: {  	_ =	shalt  }
0x5e: {  	_ =	shalt  }
0x5f: {  	_ =	shalt  }
0x60: {  	_ =	shalt  }
0x61: {  	_ =	shalt  }
0x62: {  	_ =	shalt  }
0x63: {  	_ =	shalt  }
0x64: {  	_ =	shalt  }
0x65: {  	_ =	shalt  }
0x66: {  	_ =	shalt  }
0x67: {  	_ =	shalt  }
0x68: {  	_ =	shalt  }
0x69: {  	_ =	shalt  }
0x6a: {  	_ =	shalt  }
0x6b: {  	_ =	shalt  }
0x6c: {  	_ =	shalt  }
0x6d: {  	_ =	shalt  }
0x6e: {  	_ =	shalt  }
0x6f: {  	_ =	shalt  }
0x70: {  	_ =	shalt  }
0x71: {  	_ =	shalt  }
0x72: {  	_ =	shalt  }
0x73: {  	_ =	shalt  }
0x74: {  	_ =	shalt  }
0x75: {  	_ =	shalt  }
0x76: {  	_ =	shalt  }
0x77: {  	_ =	shalt  }
0x78: {  	_ =	shalt  }
0x79: {  	_ =	shalt  }
0x7a: {  	_ =	shalt  }
0x7b: {  	_ =	shalt  }
0x7c: {  	_ =	shalt  }
0x7d: {  	_ =	shalt  }
0x7e: {  	_ =	shalt  }
0x7f: {  	_ =	shalt  }
0x80: {  	_ =	shalt  }
0x81: {  	_ =	shalt  }
0x82: {  	_ =	shalt  }
0x83: {  	_ =	shalt  }
0x84: {  	_ =	shalt  }
0x85: {  	_ =	shalt  }
0x86: {  	_ =	shalt  }
0x87: {  	_ =	shalt  }
.Lfunc_end0:
.L_simem_size_0:
called_computation_lowered:
.L_overlay_start_0:
0x88: {  	s2 =	sld [smem:$0x3FD9]  }
0x89: {  	s3 =	sld [smem:$0x3FFE];
	_ =	sdelay $0x1  }
0x8a: {  	s1 =	srdreg.scid  }
0x8b: {  	s0 =	sand.u32 $0x1, s1  }
0x8c: {  	s17 =	sshll.u32 s0, $0xA;
	s2 =	sadd.s32 s3, s2  }
0x8d: {  	s2 =	sadd.s32 s2, s17  }
0x8e: {  	[smem:$0x3FBE] =	sst s2  }
0x8f: {  	_ = 	snop  }
0x90: {  	s2 =	sld [smem:$0x3FC6];
	(tm) =	ssettm $0x1  }
0x91: {  	s18 =	sld [smem:$0x3FFB];
	_ =	sdelay $0x3  }
0x92: {  	_ =	strace s18  }
0x93: {  	s3 =	sld [smem:$0x3FFC];
	_ =	sdelay $0x3  }
0x94: {  	_ =	strace s3  }
0x95: {  	s3 =	sld [smem:$0x3FFD];
	_ =	sdelay $0x3  }
0x96: {  	_ =	strace s3  }
0x97: {  	_ =	strace $0x8FFFFFFF  }
0x98: {  	s19 =	sld [smem:$0x3FDB];
	_ =	sdelay $0x1  }
0x99: {  	s4 =	simm.s32 $_scs_section_size  }
0x9a: {  	s5 =	simm.s32 $_size__tile_overlayer_lowered;
	s6 =	simm.s32 $_tile_overlayer_lowered  }
0x9b: {  	s22 =	simm.s32 $0x1BFF;
	s21 =	sshll.u32 s6, $0x1;
	s3 =	sadd.s32 s4, s19  }
0x9c: {  	s7 =	simm.s32 $0x0;
	s20 =	sshll.u32 s5, $0x1;
	s5 =	sadd.s32 s21, s3  }
0x9d: {  	[timem:s7], [sflag:s22] =	dma.local [hbm:s5], s20  }
0x9e: {  	_ =	swait.ge [sflag:s22], s20  }
0x9f: {  	s4 =	ssub.s32 $0x0, s20;
	[sflag:s22] =	ssyncset.done $0x0  }
0xa0: {  	[sflag:s22] =	ssyncadd.s32 s4;
	_ =	sdelay $0x1  }
0xa1: {  	s23 =	simm.s32 $0x1B8B  }
0xa2: {  	_ =	swait.ge [sflag:s23], $0x1  }
0xa3: {  	[sflag:s23] =	ssyncset.done $0x0  }
0xa4: {  	s25 =	simm.s32 $0x1B8E;
	s24 =	sld [smem:$0x3FFE];
	[sflag:s23] =	ssyncadd.s32 $0xFFFFFFFF  }
0xa5: {  	s26 =	simm.s32 $execute0_lowered;
	[smem:$0x3FD2] =	sst s25  }
0xa6: {  	s5 =	sshll.u32 s26, $0x1;
	_ =	strace $0x80000046;
	[dreg:$0x1] =	wrdreg $0xFFFFFFFF  }
0xa7: {  	s28 =	simm.s32 $_size_execute0_lowered;
	s3 =	sadd.s32 s3, s5;
	[dreg:$0x0] =	wrdreg $0x0  }
0xa8: {  	s5 =	sshll.u32 s28, $0x1;
	[dreg:$0x2] =	wrdreg s3  }
0xa9: {  	[dreg:$0x3] =	wrdreg s5  }
0xaa: {  	[dreg:$0x4] =	wrdreg $0xC0  }
0xab: {  	_ =	task [dreg:s7], $0x5FFFF  }
0xac: {  	[dreg:$0x1] =	wrdreg $0xFFFFFFFF  }
0xad: {  	[dreg:$0x0] =	wrdreg $0x60  }
0xae: {  	[dreg:$0x2] =	wrdreg s2  }
0xaf: {  	[dreg:$0x3] =	wrdreg s24  }
0xb0: {  	[dreg:$0x4] =	wrdreg $0x9  }
0xb1: {  	_ =	task.clear_ibuf [dreg:s7], $0x5FFFF;
	_ =	strace $0x90000046  }
0xb2: {  	s29 =	simm.s32 $0x9;
	_ =	strace $0x80000048  }
0xb3: {  	_ =	swait.ge [sflag:s29], $0x1  }
0xb4: {  	[sflag:s29] =	ssyncadd.s32 $0xFFFFFFFF  }
0xb5: {  	_ =	strace $0x90000048  }
0xb6: {  	_ =	sfence  }
0xb7: {  	s30 =	sld [smem:$0x0];
	_ =	sdelay $0x2  }
0xb8: {  	s31 =	sshll.u32 s1, $0xD;
	s1 =	sshrl.u32 s1, $0x2  }
0xb9: {  	s3 =	sand.u32 $0x4000, s31;
	s1 =	sadd.s32 s1, s30  }
0xba: {  	s0 =	sor.u32 s3, s0;
	s1 =	sshll.u32 s1, $0x11  }
0xbb: {  	s0 =	sor.u32 s1, s0  }
0xbc: {  	s0 =	sadd.s32 $0x8F2B, s0  }
0xbd: {  	[sflag:s0] =	ssyncadd.remote.s32 $0x1  }
0xbe: {  	_ =	sfence.sel $0xFFFF  }
0xbf: {  	[dreg:$0x0] =	wrdreg $0xFFFFFFFF;
	(pc) =	sbr.abs _section_cstart, $3  }
0xc0: {  	[dreg:$0x1] =	wrdreg $0xFFFFFFFF  }
0xc1: {  	_ =	task.clear_ibuf [dreg:s7], $0x2FFFF;
	_ =	strace $0x9FFFFFFF  }
0xc2: {  	(tm) =	ssettm $0x7FFFFFFF  }
0xc3: {  	_ =	shalt  }
tec
execute0_lowered:
.L_overlay_start_1:
0x0: {  	(tag) =	ssettag $0x1  }
0x1: {  	s0 =	srdreg.scid  }
0x2: {  	s14 =	sand.u32 $0x1, s0  }
0x3: {  	s2 =	rddreg [dreg:$0x0];
	s0 =	stileid.u32;
	s1 =	sshll.u32 s14, $0x4  }
0x4: {  	s9 =	rddreg [dreg:$0x1];
	s3 =	simm.s32 $0x0;
	s10 =	sor.u32 s0, s1  }
0x5: {  	[smem:$0x7FF] =	sst s3;
	s4 =	sshll.u32 s10, $0x6  }
0x6: {  	s1 =	rddreg [dreg:$0x2];
	s4 =	sadd.s32 s4, s9  }
0x7: {  	_ =	strace $0x80000047;
	s5 =	sadd.s32 $0x1600, s4;
	s4 =	simm.s32 $0x2  }
0x8: {  	[tilespmem:s3], [sflag:$0x2] =	stream.linear.gather [hbm4b:s5+s3], $0x200, $0x38;
	[tilespmem:$0x2A00] =	vst v63  }
0x9: {  	_ =	swait.ge [sflag:s4], $0x200  }
0xa: {  	s6 =	simm.s32 $0x50;
	[sflag:s4] =	ssyncset.done $0x0  }
0xb: {  	s7 =	simm.s32 $0x200;
	s8 =	simm.s32 $0x1;
	[sflag:s4] =	ssyncadd.s32 $0xFFFFFE00  }
0xc: {  	[tilespmem:s7], [sflag:$0x1] =	stream.indirect.gather [hbm4b:s2+s6], $0x80, s3, s6, $0xb8;
	[tilespmem:$0x2A00] =	vst v63  }
0xd: {  	s11 =	smul.u32 $0x1400, s10;
	_ =	swait.ge [sflag:s8], $0x2800  }
0xe: {  	s12 =	sadd.s32 $0x1E00, s9;
	[sflag:s8] =	ssyncset.done $0x0  }
0xf: {  	s9 =	sadd.s32 s12, s11;
	[sflag:s8] =	ssyncadd.s32 $0xFFFFD800  }
0x10: {  	[hbm4b:s9+s3] =	stream.linear.scatter [tilespmem:s7], [sflag:$0x2], $0x2800, $0x38;
	[tilespmem:$0x2A00] =	vst v63  }
0x11: {  	_ =	swait.ge [sflag:s4], $0x2800  }
0x12: {  	[sflag:s4] =	ssyncset.done $0x0  }
0x13: {  	s31 =	smul.u32 $0xA000, s10;
	s10 =	simm.s32 $0x80;
	[sflag:s4] =	ssyncadd.s32 $0xFFFFD800  }
0x14: {  	[tilespmem:s7], [sflag:$0x1] =	stream.indirect.gather [hbm4b:s2+s6], $0x80, s10, s6, $0xb8;
	[tilespmem:$0x2A00] =	vst v63  }
0x15: {  	s11 =	sshrl.u32 s31, $0x3;
	_ =	swait.ge [sflag:s8], $0x2800  }
0x16: {  	s15 =	sadd.s32 s12, s11;
	[sflag:s8] =	ssyncset.done $0x0  }
0x17: {  	s11 =	sadd.s32 $0x500, s15;
	[sflag:s8] =	ssyncadd.s32 $0xFFFFD800  }
0x18: {  	[hbm4b:s11+s3] =	stream.linear.scatter [tilespmem:s7], [sflag:$0x2], $0x2800, $0x38;
	[tilespmem:$0x2A00] =	vst v63  }
0x19: {  	_ =	swait.ge [sflag:s4], $0x2800  }
0x1a: {  	[sflag:s4] =	ssyncset.done $0x0  }
0x1b: {  	s12 =	simm.s32 $0x100;
	[sflag:s4] =	ssyncadd.s32 $0xFFFFD800  }
0x1c: {  	[tilespmem:s7], [sflag:$0x1] =	stream.indirect.gather [hbm4b:s2+s6], $0x80, s12, s6, $0xb8;
	[tilespmem:$0x2A00] =	vst v63  }
0x1d: {  	_ =	swait.ge [sflag:s8], $0x2800  }
0x1e: {  	[sflag:s8] =	ssyncset.done $0x0  }
0x1f: {  	s16 =	ssub.s32 $0x2, s14;
	s13 =	sadd.s32 $0xA00, s15;
	[sflag:s8] =	ssyncadd.s32 $0xFFFFD800  }
0x20: {  	[hbm4b:s13+s3] =	stream.linear.scatter [tilespmem:s7], [sflag:$0x2], $0x2800, $0x38;
	[tilespmem:$0x2A00] =	vst v63  }
0x21: {  	s17 =	sshrl.u32 s16, $0x1;
	_ =	swait.ge [sflag:s4], $0x2800  }
0x22: {  	s16 =	ssub.s32 s16, s17;
	[sflag:s4] =	ssyncset.done $0x0  }
0x23: {  	s14 =	simm.s32 $0x180;
	s16 =	smax.u32 s16, $0x1;
	[sflag:s4] =	ssyncadd.s32 $0xFFFFD800  }
0x24: {  	[tilespmem:s7], [sflag:$0x1] =	stream.indirect.gather [hbm4b:s2+s6], $0x80, s14, s6, $0xb8;
	[tilespmem:$0x2A00] =	vst v63  }
0x25: {  	p0 =	sne.s32 s16, $0x1;
	_ =	swait.ge [sflag:s8], $0x2800  }
.Ltmp0:
0x26: {  	[sflag:s8] =	ssyncset.done $0x0;
	(pc) =	sbr.rel @!p0 .LBB2_2-.Ltmp0, $4  }
0x27: {  	s15 =	sadd.s32 $0xF00, s15;
	[sflag:s8] =	ssyncadd.s32 $0xFFFFD800  }
0x28: {  	[hbm4b:s15+s3] =	stream.linear.scatter [tilespmem:s7], [sflag:$0x2], $0x2800, $0x38;
	[tilespmem:$0x2A00] =	vst v63  }
0x29: {  	_ =	swait.ge [sflag:s4], $0x2800  }
0x2a: {  	s16 =	sadd.s32 $0xFFFFFFFF, s16;
	[sflag:s4] =	ssyncset.done $0x0  }
.LBB2_1:
0x2b: {  	p0 =	sne.s32 s16, $0x1;
	s16 =	sadd.s32 $0xFFFFFFFF, s16;
	[sflag:s4] =	ssyncadd.s32 $0xFFFFD800  }
0x2c: {  	[tilespmem:s3], [sflag:$0x2] =	stream.linear.gather [hbm4b:s5+s3], $0x200, $0x38;
	[tilespmem:$0x2A00] =	vst v63  }
0x2d: {  	_ =	swait.ge [sflag:s4], $0x200  }
0x2e: {  	[sflag:s4] =	ssyncset.done $0x0  }
0x2f: {  	[sflag:s4] =	ssyncadd.s32 $0xFFFFFE00  }
0x30: {  	[tilespmem:s7], [sflag:$0x1] =	stream.indirect.gather [hbm4b:s2+s6], $0x80, s3, s6, $0xb8;
	[tilespmem:$0x2A00] =	vst v63  }
0x31: {  	_ =	swait.ge [sflag:s8], $0x2800  }
0x32: {  	[sflag:s8] =	ssyncset.done $0x0  }
0x33: {  	[sflag:s8] =	ssyncadd.s32 $0xFFFFD800  }
0x34: {  	[hbm4b:s9+s3] =	stream.linear.scatter [tilespmem:s7], [sflag:$0x2], $0x2800, $0x38;
	[tilespmem:$0x2A00] =	vst v63  }
0x35: {  	_ =	swait.ge [sflag:s4], $0x2800  }
0x36: {  	[sflag:s4] =	ssyncset.done $0x0  }
0x37: {  	[sflag:s4] =	ssyncadd.s32 $0xFFFFD800  }
0x38: {  	[tilespmem:s7], [sflag:$0x1] =	stream.indirect.gather [hbm4b:s2+s6], $0x80, s10, s6, $0xb8;
	[tilespmem:$0x2A00] =	vst v63  }
0x39: {  	_ =	swait.ge [sflag:s8], $0x2800  }
0x3a: {  	[sflag:s8] =	ssyncset.done $0x0  }
0x3b: {  	[sflag:s8] =	ssyncadd.s32 $0xFFFFD800  }
0x3c: {  	[hbm4b:s11+s3] =	stream.linear.scatter [tilespmem:s7], [sflag:$0x2], $0x2800, $0x38;
	[tilespmem:$0x2A00] =	vst v63  }
0x3d: {  	_ =	swait.ge [sflag:s4], $0x2800  }
0x3e: {  	[sflag:s4] =	ssyncset.done $0x0  }
0x3f: {  	[sflag:s4] =	ssyncadd.s32 $0xFFFFD800  }
0x40: {  	[tilespmem:s7], [sflag:$0x1] =	stream.indirect.gather [hbm4b:s2+s6], $0x80, s12, s6, $0xb8;
	[tilespmem:$0x2A00] =	vst v63  }
0x41: {  	_ =	swait.ge [sflag:s8], $0x2800  }
0x42: {  	[sflag:s8] =	ssyncset.done $0x0  }
0x43: {  	[sflag:s8] =	ssyncadd.s32 $0xFFFFD800  }
0x44: {  	[hbm4b:s13+s3] =	stream.linear.scatter [tilespmem:s7], [sflag:$0x2], $0x2800, $0x38;
	[tilespmem:$0x2A00] =	vst v63  }
0x45: {  	_ =	swait.ge [sflag:s4], $0x2800  }
0x46: {  	[sflag:s4] =	ssyncset.done $0x0  }
0x47: {  	[sflag:s4] =	ssyncadd.s32 $0xFFFFD800  }
0x48: {  	[tilespmem:s7], [sflag:$0x1] =	stream.indirect.gather [hbm4b:s2+s6], $0x80, s14, s6, $0xb8;
	[tilespmem:$0x2A00] =	vst v63  }
0x49: {  	_ =	swait.ge [sflag:s8], $0x2800  }
.Ltmp1:
0x4a: {  	[sflag:s8] =	ssyncset.done $0x0;
	(pc) =	sbr.rel @p0 .LBB2_1-.Ltmp1, $4  }
0x4b: {  	[sflag:s8] =	ssyncadd.s32 $0xFFFFD800  }
0x4c: {  	[hbm4b:s15+s3] =	stream.linear.scatter [tilespmem:s7], [sflag:$0x2], $0x2800, $0x38;
	[tilespmem:$0x2A00] =	vst v63  }
0x4d: {  	_ =	swait.ge [sflag:s4], $0x2800  }
0x4e: {  	[sflag:s4] =	ssyncset.done $0x0  }
.LBB2_2:
0x4f: {  	[sflag:s4] =	ssyncadd.s32 $0xFFFFD800  }
0x50: {  	_ =	sfence.sel $0x180000  }
0x51: {  	[bflag:$0x0] =	sbarrier.arrive $0xFFFF  }
0x52: {  	p0 =	sne.s32 s0, $0x0;
	_ =	strace $0x90000047  }
0x53: {  	s0 =	sadd.s32 @!p0 $0x100000, s1;
	[bflag:$0x2] =	sbarrier.arrive $0xFFFF  }
0x54: {  	[sflag:s0] =	ssyncadd.tile.s32 @!p0 $0x1;
	_ =	shalt  }
.Lfunc_end2:
_tile_overlayer_lowered:
.L_overlay_start_2:
0x55: {  	(tag) =	ssettag $0x2  }
0x56: {  	s0 =	rddreg [dreg:$0x0];
	s2 =	stileid.u32  }
0x57: {  	s1 =	rddreg [dreg:$0x1];
	p0 =	sne.s32 s2, $0x0  }
0x58: {  	s3 =	rddreg [dreg:$0x2];
	[bflag:$0x3] =	sbarrier.arrive $0xFFFF;
	s2 =	simm.s32 @!p0 $0x1C02  }
0x59: {  	[timem:s3], [sflag:s2] =	dma.local @!p0 [hbm:s0], s1  }
0x5a: {  	s0 =	simm.s32 @!p0 $0x2  }
0x5b: {  	_ =	swait.ge @!p0 [sflag:s0], s1  }
0x5c: {  	s1 =	ssub.s32 @!p0 $0x0, s1;
	[sflag:s0] =	ssyncset.done @!p0 $0x0  }
0x5d: {  	[sflag:s0] =	ssyncadd.s32 @!p0 s1  }
0x5e: {  	[bflag:$0x3] =	sbarrier.arrive $0xFFFF  }
0x5f: {  	_ =	shalt  }

// kernel: kernel.13.cloned.1.call-start
scs
__scs_entry_jumppad:
0x0: {  	(pc) =	sbr.rel $0x88, $3  }
0x1: {  	(tag) =	ssettag $0x0;
	lr =	simm.s32 $0x1  }
0x2: {  	[smem:$0x3F97] =	sst lr;
	_ =	strace $0xD0000000  }
0x3: {  	_ = 	snop  }
0x4: {  	_ = 	snop  }
0x5: {  	_ = 	snop  }
0x6: {  	_ = 	snop  }
0x7: {  	_ = 	snop  }
__scs_overlays_trampoline_lowered:
0x8: {  	[smem:$0x3FA6] =	sst s0  }
0x9: {  	[smem:$0x3FA7] =	sst s1  }
0xa: {  	[smem:$0x3FA8] =	sst s2  }
0xb: {  	[smem:$0x3FA9] =	sst s3  }
0xc: {  	[smem:$0x3FAA] =	sst s4  }
0xd: {  	[smem:$0x3FAB] =	sst s5  }
0xe: {  	[smem:$0x3FAC] =	sst s6  }
0xf: {  	[smem:$0x3FAD] =	sst s7  }
0x10: {  	[smem:$0x3FAE] =	sst s8  }
0x11: {  	[smem:$0x3FAF] =	sst s9;
	s0 =	simm.s32 @!p0 $0x0  }
0x12: {  	s1 =	sld [smem:$0x3F95];
	s0 =	simm.s32 @p0 $0x1  }
0x13: {  	[smem:$0x3FB0] =	sst s0;
	s0 =	simm.s32 @!p1 $0x0  }
0x14: {  	s2 =	sld [smem:$0x3F94];
	s0 =	simm.s32 @p1 $0x1  }
0x15: {  	[smem:$0x3FB1] =	sst s0;
	s0 =	simm.s32 @!p2 $0x0  }
0x16: {  	s3 =	sld [smem:$0x3FDB];
	s0 =	simm.s32 @p2 $0x1  }
0x17: {  	s4 =	simm.s32 $0x1BF5;
	[smem:$0x3FB3] =	sst s0  }
0x18: {  	s0 =	sld [smem:$0x3F96];
	_ =	swait.ge [sflag:s4], $0x0  }
0x19: {  	s7 =	sld [smem:$0x3F97]  }
0x1a: {  	s8 =	sadd.s32 $0xFFFFE003, lr  }
0x1b: {  	s9 =	sadd.s32 $0xFFFFFEF7, lr;
	s5 =	simm.s32 $0xFFFFFFFF;
	p2 =	slt.u32 s8, $0xFFFFF086  }
0x1c: {  	p1 =	slt.u32 s9, $0xF7A;
	s5 =	simm.s32 @!p2 $0x0  }
0x1d: {  	s5 =	simm.s32 @p1 $0x1;
	p0 =	seq.s32 s7, s2  }
0x1e: {  	s7 =	smul.u32 @!p0 $0xF7A, s2;
	p2 =	seq.s32 @!p0 s5, $0x0  }
0x1f: {  	s9 =	smul.u32 $0xF7A, s1;
	s8 =	simm.s32 @!p0 $0x1BF5;
	p2 =	por !p2, p0  }
0x20: {  	[sflag:s8] =	ssyncset.s32 @!p0 $0xFFFFF086;
	s6 =	sadd.s32 @!p0 s3, s7;
	s7 =	simm.s32 @!p0 $0x108  }
0x21: {  	s3 =	sadd.s32 s3, s9;
	s6 =	sadd.s32 @!p0 $0x88, s6;
	s7 =	simm.s32 @p2 $0x1082  }
0x22: {  	[simem:s7], [sflag:s8] =	dma.local @!p0 [hbm:s6], $0xF7A  }
0x23: {  	s9 =	sor.u32 $0xD0000000, s2;
	s6 =	simm.s32 $0x108;
	_ =	swait.ge @!p0 [sflag:s8], $0x0  }
0x24: {  	s3 =	sadd.s32 $0x88, s3;
	s6 =	simm.s32 @!p1 $0x1082;
	[sflag:s4] =	ssyncset.s32 $0xFFFFF086  }
0x25: {  	[simem:s6], [sflag:s4] =	dma.local [hbm:s3], $0xF7A  }
0x26: {  	[smem:$0x3F97] =	sst s1;
	(tag) =	ssettag s2;
	_ =	strace s9  }
0x27: {  	s1 =	sld [smem:$0x3FA7]  }
0x28: {  	s2 =	sld [smem:$0x3FA8]  }
0x29: {  	s4 =	sld [smem:$0x3FAA]  }
0x2a: {  	p0 =	seq.s32 s5, $0x0;
	s5 =	sld [smem:$0x3FAB]  }
0x2b: {  	s6 =	sld [smem:$0x3FAC]  }
0x2c: {  	s7 =	sld [smem:$0x3FAD]  }
0x2d: {  	s3 =	simm.s32 $0x108;
	s8 =	sld [smem:$0x3FAE]  }
0x2e: {  	s3 =	simm.s32 @!p0 $0x1082;
	s9 =	sld [smem:$0x3FAF]  }
0x2f: {  	lr =	sadd.s32 s0, s3;
	s0 =	sld [smem:$0x3FA6]  }
0x30: {  	s3 =	sld [smem:$0x3FA9]  }
0x31: {  	[smem:$0x3FB2] =	sst s10  }
0x32: {  	s10 =	sld [smem:$0x3FB0];
	_ =	sdelay $0x3  }
0x33: {  	p0 =	seq.s32 s10, $0x1;
	s10 =	sld [smem:$0x3FB2];
	_ =	sdelay $0x3  }
0x34: {  	[smem:$0x3FB2] =	sst s10  }
0x35: {  	s10 =	sld [smem:$0x3FB1];
	_ =	sdelay $0x3  }
0x36: {  	p1 =	seq.s32 s10, $0x1;
	s10 =	sld [smem:$0x3FB2];
	_ =	sdelay $0x3  }
0x37: {  	[smem:$0x3FB2] =	sst s10  }
0x38: {  	s10 =	sld [smem:$0x3FB3]  }
0x39: {  	_ = 	snop;
	(pc) =	sbr.ind lr, $3  }
0x3a: {  	_ = 	snop  }
0x3b: {  	_ = 	snop  }
0x3c: {  	p2 =	seq.s32 s10, $0x1;
	s10 =	sld [smem:$0x3FB2]  }
0x3d: {  	_ =	shalt  }
0x3e: {  	_ =	shalt  }
0x3f: {  	_ =	shalt  }
0x40: {  	_ =	shalt  }
0x41: {  	_ =	shalt  }
0x42: {  	_ =	shalt  }
0x43: {  	_ =	shalt  }
0x44: {  	_ =	shalt  }
0x45: {  	_ =	shalt  }
0x46: {  	_ =	shalt  }
0x47: {  	_ =	shalt  }
0x48: {  	_ =	shalt  }
0x49: {  	_ =	shalt  }
0x4a: {  	_ =	shalt  }
0x4b: {  	_ =	shalt  }
0x4c: {  	_ =	shalt  }
0x4d: {  	_ =	shalt  }
0x4e: {  	_ =	shalt  }
0x4f: {  	_ =	shalt  }
0x50: {  	_ =	shalt  }
0x51: {  	_ =	shalt  }
0x52: {  	_ =	shalt  }
0x53: {  	_ =	shalt  }
0x54: {  	_ =	shalt  }
0x55: {  	_ =	shalt  }
0x56: {  	_ =	shalt  }
0x57: {  	_ =	shalt  }
0x58: {  	_ =	shalt  }
0x59: {  	_ =	shalt  }
0x5a: {  	_ =	shalt  }
0x5b: {  	_ =	shalt  }
0x5c: {  	_ =	shalt  }
0x5d: {  	_ =	shalt  }
0x5e: {  	_ =	shalt  }
0x5f: {  	_ =	shalt  }
0x60: {  	_ =	shalt  }
0x61: {  	_ =	shalt  }
0x62: {  	_ =	shalt  }
0x63: {  	_ =	shalt  }
0x64: {  	_ =	shalt  }
0x65: {  	_ =	shalt  }
0x66: {  	_ =	shalt  }
0x67: {  	_ =	shalt  }
0x68: {  	_ =	shalt  }
0x69: {  	_ =	shalt  }
0x6a: {  	_ =	shalt  }
0x6b: {  	_ =	shalt  }
0x6c: {  	_ =	shalt  }
0x6d: {  	_ =	shalt  }
0x6e: {  	_ =	shalt  }
0x6f: {  	_ =	shalt  }
0x70: {  	_ =	shalt  }
0x71: {  	_ =	shalt  }
0x72: {  	_ =	shalt  }
0x73: {  	_ =	shalt  }
0x74: {  	_ =	shalt  }
0x75: {  	_ =	shalt  }
0x76: {  	_ =	shalt  }
0x77: {  	_ =	shalt  }
0x78: {  	_ =	shalt  }
0x79: {  	_ =	shalt  }
0x7a: {  	_ =	shalt  }
0x7b: {  	_ =	shalt  }
0x7c: {  	_ =	shalt  }
0x7d: {  	_ =	shalt  }
0x7e: {  	_ =	shalt  }
0x7f: {  	_ =	shalt  }
0x80: {  	_ =	shalt  }
0x81: {  	_ =	shalt  }
0x82: {  	_ =	shalt  }
0x83: {  	_ =	shalt  }
0x84: {  	_ =	shalt  }
0x85: {  	_ =	shalt  }
0x86: {  	_ =	shalt  }
0x87: {  	_ =	shalt  }
.Lfunc_end0:
.L_simem_size_0:
called_computation.1_lowered:
.L_overlay_start_0:
0x88: {  	s2 =	sld [smem:$0x3FD9]  }
0x89: {  	s3 =	sld [smem:$0x3FFE];
	_ =	sdelay $0x1  }
0x8a: {  	s1 =	srdreg.scid  }
0x8b: {  	s0 =	sand.u32 $0x1, s1  }
0x8c: {  	s17 =	sshll.u32 s0, $0xA;
	s2 =	sadd.s32 s3, s2  }
0x8d: {  	s2 =	sadd.s32 s2, s17  }
0x8e: {  	[smem:$0x3FBE] =	sst s2  }
0x8f: {  	_ = 	snop  }
0x90: {  	s2 =	sld [smem:$0x3FD0];
	(tm) =	ssettm $0x1  }
0x91: {  	s18 =	sld [smem:$0x3FFB];
	_ =	sdelay $0x3  }
0x92: {  	_ =	strace s18  }
0x93: {  	s3 =	sld [smem:$0x3FFC];
	_ =	sdelay $0x3  }
0x94: {  	_ =	strace s3  }
0x95: {  	s3 =	sld [smem:$0x3FFD];
	_ =	sdelay $0x3  }
0x96: {  	_ =	strace s3  }
0x97: {  	_ =	strace $0x8FFFFFFF  }
0x98: {  	s19 =	sld [smem:$0x3FDB];
	_ =	sdelay $0x1  }
0x99: {  	s4 =	simm.s32 $_scs_section_size  }
0x9a: {  	s5 =	simm.s32 $_size__tile_overlayer_lowered;
	s6 =	simm.s32 $_tile_overlayer_lowered  }
0x9b: {  	s22 =	simm.s32 $0x1BFF;
	s21 =	sshll.u32 s6, $0x1;
	s3 =	sadd.s32 s4, s19  }
0x9c: {  	s7 =	simm.s32 $0x0;
	s20 =	sshll.u32 s5, $0x1;
	s5 =	sadd.s32 s21, s3  }
0x9d: {  	[timem:s7], [sflag:s22] =	dma.local [hbm:s5], s20  }
0x9e: {  	_ =	swait.ge [sflag:s22], s20  }
0x9f: {  	s4 =	ssub.s32 $0x0, s20;
	[sflag:s22] =	ssyncset.done $0x0  }
0xa0: {  	[sflag:s22] =	ssyncadd.s32 s4;
	_ =	sdelay $0x1  }
0xa1: {  	s23 =	simm.s32 $0x1B8B  }
0xa2: {  	_ =	swait.ge [sflag:s23], $0x1  }
0xa3: {  	[sflag:s23] =	ssyncset.done $0x0  }
0xa4: {  	s25 =	simm.s32 $0x1B8E;
	s24 =	sld [smem:$0x3FFE];
	[sflag:s23] =	ssyncadd.s32 $0xFFFFFFFF  }
0xa5: {  	s26 =	simm.s32 $execute0_lowered;
	[smem:$0x3FD2] =	sst s25  }
0xa6: {  	s5 =	sshll.u32 s26, $0x1;
	_ =	strace $0x80000049;
	[dreg:$0x1] =	wrdreg $0xFFFFFFFF  }
0xa7: {  	s28 =	simm.s32 $_size_execute0_lowered;
	s3 =	sadd.s32 s3, s5;
	[dreg:$0x0] =	wrdreg $0x0  }
0xa8: {  	s5 =	sshll.u32 s28, $0x1;
	[dreg:$0x2] =	wrdreg s3  }
0xa9: {  	[dreg:$0x3] =	wrdreg s5  }
0xaa: {  	[dreg:$0x4] =	wrdreg $0xC0  }
0xab: {  	_ =	task [dreg:s7], $0x5FFFF  }
0xac: {  	[dreg:$0x1] =	wrdreg $0xFFFFFFFF  }
0xad: {  	[dreg:$0x0] =	wrdreg $0x60  }
0xae: {  	[dreg:$0x2] =	wrdreg s24  }
0xaf: {  	[dreg:$0x3] =	wrdreg s2  }
0xb0: {  	[dreg:$0x4] =	wrdreg $0x28000  }
0xb1: {  	[dreg:$0x5] =	wrdreg $0x9  }
0xb2: {  	_ =	task.clear_ibuf [dreg:s7], $0x6FFFF;
	_ =	strace $0x90000049  }
0xb3: {  	s29 =	simm.s32 $0x9;
	_ =	strace $0x8000004B  }
0xb4: {  	_ =	swait.ge [sflag:s29], $0x1  }
0xb5: {  	[sflag:s29] =	ssyncadd.s32 $0xFFFFFFFF  }
0xb6: {  	_ =	strace $0x9000004B  }
0xb7: {  	_ =	sfence  }
0xb8: {  	s30 =	sld [smem:$0x0];
	_ =	sdelay $0x2  }
0xb9: {  	s31 =	sshll.u32 s1, $0xD;
	s1 =	sshrl.u32 s1, $0x2  }
0xba: {  	s3 =	sand.u32 $0x4000, s31;
	s1 =	sadd.s32 s1, s30  }
0xbb: {  	s0 =	sor.u32 s3, s0;
	s1 =	sshll.u32 s1, $0x11  }
0xbc: {  	s0 =	sor.u32 s1, s0  }
0xbd: {  	s0 =	sadd.s32 $0x8F2B, s0  }
0xbe: {  	[sflag:s0] =	ssyncadd.remote.s32 $0x1  }
0xbf: {  	_ =	sfence.sel $0xFFFF  }
0xc0: {  	[dreg:$0x0] =	wrdreg $0xFFFFFFFF;
	(pc) =	sbr.abs _section_cstart, $3  }
0xc1: {  	[dreg:$0x1] =	wrdreg $0xFFFFFFFF  }
0xc2: {  	_ =	task.clear_ibuf [dreg:s7], $0x2FFFF;
	_ =	strace $0x9FFFFFFF  }
0xc3: {  	(tm) =	ssettm $0x7FFFFFFF  }
tec
execute0_lowered:
.L_overlay_start_1:
0x0: {  	(tag) =	ssettag $0x1  }
0x1: {  	s5 =	rddreg [dreg:$0x0]  }
0x2: {  	s0 =	srdreg.scid;
	s7 =	rddreg [dreg:$0x1]  }
0x3: {  	s2 =	rddreg [dreg:$0x2];
	s3 =	simm.s32 $0x0;
	s15 =	simm.s32 $0x16800  }
0x4: {  	s16 =	simm.s32 $0x1A800;
	s17 =	simm.s32 $0x1;
	s18 =	simm.s32 $0x2  }
0x5: {  	s19 =	simm.s32 $0x3;
	s20 =	simm.s32 $0x4;
	s21 =	simm.s32 $0x2700  }
0x6: {  	s22 =	simm.s32 $0x2780;
	s6 =	sand.u32 $0x1, s0;
	s0 =	stileid.u32  }
0x7: {  	s23 =	simm.s32 $0x0;
	[smem:$0x7FF] =	sst s3;
	s9 =	smul.u32 $0x14000, s0  }
0x8: {  	s1 =	sshll.u32 s6, $0x4;
	s10 =	smul.u32 $0x140000, s6;
	s6 =	ssub.s32 $0x2, s6  }
0x9: {  	s29 =	smul.u32 $0x50000, s0;
	s31 =	sshll.u32 s0, $0x6;
	s4 =	sor.u32 s0, s1  }
0xa: {  	s1 =	rddreg [dreg:$0x3];
	_ =	strace $0x8000004A;
	s13 =	sshrl.u32 s6, $0x1  }
0xb: {  	s8 =	smul.u32 $0x280, s4;
	s4 =	sadd.s32 $0x2EE00, s5;
	s12 =	sshrl.u32 s9, $0x3  }
0xc: {  	s9 =	sadd.s32 s9, s10;
	s13 =	ssub.s32 s6, s13;
	s30 =	sshrl.u32 s29, $0x2  }
0xd: {  	s6 =	sor.u32 $0x1C05, s31;
	s12 =	sadd.s32 s12, s5;
	s9 =	sshrl.u32 s9, $0x3  }
0xe: {  	s14 =	sadd.s32 s30, s2;
	s10 =	smax.u32 s13, $0x1;
	s13 =	simm.s32 $0x1400  }
0xf: {  	s11 =	sadd.s32 s8, s5;
	s9 =	sadd.s32 s9, s5;
	s5 =	sadd.s32 $0x1600, s12  }
0x10: {  	s7 =	sadd.s32 s7, s8;
	s12 =	simm.s32 $0x5;
	s8 =	sadd.s32 $0x29E00, s11  }
0x11: {  	s9 =	sadd.s32 $0xCEE00, s9;
	s11 =	sshrl.u32 s14, $0x3;
	s14 =	simm.s32 $0x80  }
.LBB2_1:
0x12: {  	[spmem:s11], [sflag:s6] =	dma.local [hbm:s5], $0x2800  }
0x13: {  	_ =	swait.ge [sflag:s12], $0x2800  }
0x14: {  	[sflag:s12] =	ssyncset.done $0x0  }
0x15: {  	[sflag:s12] =	ssyncadd.s32 $0xFFFFD800  }
0x16: {  	[tilespmem:s3], [sflag:$0x5] =	stream.linear.gather [hbm4b:s7+s3], $0x1400, $0x38;
	[tilespmem:$0x1E800] =	vst v63  }
0x17: {  	_ =	swait.ge [sflag:s12], $0x1400  }
0x18: {  	[sflag:s12] =	ssyncset.done $0x0  }
0x19: {  	[sflag:s12] =	ssyncadd.s32 $0xFFFFEC00  }
0x1a: {  	[tilespmem:s13], [sflag:$0x5] =	stream.linear.gather [hbm4b:s8+s3], $0x1400, $0x38;
	[tilespmem:$0x1E800] =	vst v63  }
0x1b: {  	_ =	swait.ge [sflag:s12], $0x1400  }
0x1c: {  	[sflag:s12] =	ssyncset.done $0x0  }
0x1d: {  	[sflag:s12] =	ssyncadd.s32 $0xFFFFEC00  }
0x1e: {  	[bflag:$0x0] =	sbarrier.arrive $0xFFFF  }
0x1f: {  	[tilespmem:s15], [sflag:$0x1] =	stream.indirect.gather [hbm4b:s4+s14], $0x80, s3, s14, $0xb8;
	[tilespmem:$0x1E800] =	vst v63  }
0x20: {  	_ = 	snop  }
0x21: {  	[tilespmem:s16], [sflag:$0x2] =	stream.indirect.gather [hbm4b:s4+s14], $0x80, s14, s14, $0xb8;
	[tilespmem:$0x1E800] =	vst v63  }
0x22: {  	_ =	swait.ge [sflag:s17], $0x4000  }
0x23: {  	[sflag:s17] =	ssyncset.done $0x0  }
0x24: {  	s24 =	simm.s32 $0x1400;
	[sflag:s17] =	ssyncadd.s32 $0xFFFFC000  }
0x25: {  	[spmem:s2] =	stream.indirect.scatter.add.f32 [tilespmem:s15], [sflag:$0x3], $0x80, s24, s14, $0xb8;
	[tilespmem:$0x1E800] =	vst v63  }
0x26: {  	_ =	swait.ge [sflag:s18], $0x4000  }
0x27: {  	[sflag:s18] =	ssyncset.done $0x0  }
0x28: {  	s30 =	simm.s32 $0x1480;
	[sflag:s18] =	ssyncadd.s32 $0xFFFFC000  }
0x29: {  	[spmem:s2] =	stream.indirect.scatter.add.f32 [tilespmem:s16], [sflag:$0x4], $0x80, s30, s14, $0xb8;
	[tilespmem:$0x1E800] =	vst v63  }
0x2a: {  	_ =	swait.ge [sflag:s19], $0x4000  }
0x2b: {  	[sflag:s19] =	ssyncset.done $0x0  }
0x2c: {  	s31 =	simm.s32 $0x100;
	[sflag:s19] =	ssyncadd.s32 $0xFFFFC000  }
0x2d: {  	[tilespmem:s15], [sflag:$0x1] =	stream.indirect.gather [hbm4b:s4+s14], $0x80, s31, s14, $0xb8;
	[tilespmem:$0x1E800] =	vst v63  }
0x2e: {  	_ =	swait.ge [sflag:s20], $0x4000  }
0x2f: {  	[sflag:s20] =	ssyncset.done $0x0  }
0x30: {  	s25 =	simm.s32 $0x180;
	s24 =	simm.s32 $0x400;
	[sflag:s20] =	ssyncadd.s32 $0xFFFFC000  }
.LBB2_2:
0x31: {  	[tilespmem:s16], [sflag:$0x2] =	stream.indirect.gather [hbm4b:s4+s14], $0x80, s25, s14, $0xb8;
	[tilespmem:$0x1E800] =	vst v63  }
0x32: {  	s25 =	smov.u32 s24  }
0x33: {  	p0 =	sne.s32 s24, $0x4800;
	s24 =	sadd.s32 $0x400, s24;
	_ =	swait.ge [sflag:s17], $0x4000  }
0x34: {  	s25 =	sshra.s32 s25, $0x2;
	[sflag:s17] =	ssyncset.done $0x0  }
0x35: {  	s26 =	sadd.s32 $0x1400, s25;
	[sflag:s17] =	ssyncadd.s32 $0xFFFFC000  }
0x36: {  	[spmem:s2] =	stream.indirect.scatter.add.f32 [tilespmem:s15], [sflag:$0x3], $0x80, s26, s14, $0xb8;
	[tilespmem:$0x1E800] =	vst v63  }
0x37: {  	_ =	swait.ge [sflag:s18], $0x4000  }
0x38: {  	[sflag:s18] =	ssyncset.done $0x0  }
0x39: {  	s26 =	sadd.s32 $0x1480, s25;
	[sflag:s18] =	ssyncadd.s32 $0xFFFFC000  }
0x3a: {  	[spmem:s2] =	stream.indirect.scatter.add.f32 [tilespmem:s16], [sflag:$0x4], $0x80, s26, s14, $0xb8;
	[tilespmem:$0x1E800] =	vst v63  }
0x3b: {  	_ =	swait.ge [sflag:s19], $0x4000  }
0x3c: {  	[sflag:s19] =	ssyncset.done $0x0  }
.Ltmp0:
0x3d: {  	s26 =	sadd.s32 $0x100, s25;
	[sflag:s19] =	ssyncadd.s32 $0xFFFFC000;
	(pc) =	sbr.rel @p0 .LBB2_2-.Ltmp0, $4  }
0x3e: {  	[tilespmem:s15], [sflag:$0x1] =	stream.indirect.gather [hbm4b:s4+s14], $0x80, s26, s14, $0xb8;
	[tilespmem:$0x1E800] =	vst v63  }
0x3f: {  	_ =	swait.ge [sflag:s20], $0x4000  }
0x40: {  	[sflag:s20] =	ssyncset.done $0x0  }
0x41: {  	s25 =	sadd.s32 $0x180, s25;
	[sflag:s20] =	ssyncadd.s32 $0xFFFFC000  }
0x42: {  	[tilespmem:s16], [sflag:$0x2] =	stream.indirect.gather [hbm4b:s4+s14], $0x80, s25, s14, $0xb8;
	[tilespmem:$0x1E800] =	vst v63  }
0x43: {  	_ =	swait.ge [sflag:s17], $0x4000  }
0x44: {  	[sflag:s17] =	ssyncset.done $0x0  }
0x45: {  	[sflag:s17] =	ssyncadd.s32 $0xFFFFC000  }
0x46: {  	[spmem:s2] =	stream.indirect.scatter.add.f32 [tilespmem:s15], [sflag:$0x3], $0x80, s21, s14, $0xb8;
	[tilespmem:$0x1E800] =	vst v63  }
0x47: {  	_ =	swait.ge [sflag:s18], $0x4000  }
0x48: {  	[sflag:s18] =	ssyncset.done $0x0  }
0x49: {  	[sflag:s18] =	ssyncadd.s32 $0xFFFFC000  }
0x4a: {  	[spmem:s2] =	stream.indirect.scatter.add.f32 [tilespmem:s16], [sflag:$0x4], $0x80, s22, s14, $0xb8;
	[tilespmem:$0x1E800] =	vst v63  }
0x4b: {  	_ =	swait.ge [sflag:s19], $0x4000  }
0x4c: {  	[sflag:s19] =	ssyncset.done $0x0  }
0x4d: {  	[sflag:s19] =	ssyncadd.s32 $0xFFFFC000  }
0x4e: {  	_ =	swait.ge [sflag:s20], $0x4000  }
0x4f: {  	s23 =	sadd.s32 $0x1, s23;
	[sflag:s20] =	ssyncset.done $0x0  }
0x50: {  	p0 =	sne.s32 s23, s10;
	[sflag:s20] =	ssyncadd.s32 $0xFFFFC000  }
.Ltmp1:
0x51: {  	[bflag:$0x0] =	sbarrier.arrive $0xFFFF;
	(pc) =	sbr.rel @p0 .LBB2_1-.Ltmp1, $4  }
0x52: {  	[hbm:s9], [sflag:s6] =	dma.local [spmem:s11], $0x2800  }
0x53: {  	_ =	swait.ge [sflag:s12], $0x2800  }
0x54: {  	[sflag:s12] =	ssyncset.done $0x0  }
0x55: {  	[sflag:s12] =	ssyncadd.s32 $0xFFFFD800  }
0x56: {  	_ =	sfence.sel $0x180000  }
0x57: {  	[bflag:$0x0] =	sbarrier.arrive $0xFFFF  }
0x58: {  	p0 =	sne.s32 s0, $0x0;
	_ =	strace $0x9000004A  }
0x59: {  	s0 =	sadd.s32 @!p0 $0x100000, s1;
	[bflag:$0x2] =	sbarrier.arrive $0xFFFF  }
0x5a: {  	[sflag:s0] =	ssyncadd.tile.s32 @!p0 $0x1;
	_ =	shalt  }
.Lfunc_end2:
_tile_overlayer_lowered:
.L_overlay_start_2:
0x5b: {  	(tag) =	ssettag $0x2  }
0x5c: {  	s0 =	rddreg [dreg:$0x0];
	s2 =	stileid.u32  }
0x5d: {  	s1 =	rddreg [dreg:$0x1];
	p0 =	sne.s32 s2, $0x0  }
0x5e: {  	s3 =	rddreg [dreg:$0x2];
	[bflag:$0x3] =	sbarrier.arrive $0xFFFF;
	s2 =	simm.s32 @!p0 $0x1C05  }
0x5f: {  	[timem:s3], [sflag:s2] =	dma.local @!p0 [hbm:s0], s1  }
0x60: {  	s0 =	simm.s32 @!p0 $0x5  }
0x61: {  	_ =	swait.ge @!p0 [sflag:s0], s1  }
0x62: {  	s1 =	ssub.s32 @!p0 $0x0, s1;
	[sflag:s0] =	ssyncset.done @!p0 $0x0  }
0x63: {  	[sflag:s0] =	ssyncadd.s32 @!p0 s1  }
0x64: {  	[bflag:$0x3] =	sbarrier.arrive $0xFFFF  }
0x65: {  	_ =	shalt  }

// kernel: kernel.16.cloned.1.call-start
scs
__scs_entry_jumppad:
0x0: {  	(pc) =	sbr.rel $0x88, $3  }
0x1: {  	(tag) =	ssettag $0x0;
	lr =	simm.s32 $0x1  }
0x2: {  	[smem:$0x3F97] =	sst lr;
	_ =	strace $0xD0000000  }
0x3: {  	_ = 	snop  }
0x4: {  	_ = 	snop  }
0x5: {  	_ = 	snop  }
0x6: {  	_ = 	snop  }
0x7: {  	_ = 	snop  }
__scs_overlays_trampoline_lowered:
0x8: {  	[smem:$0x3FA6] =	sst s0  }
0x9: {  	[smem:$0x3FA7] =	sst s1  }
0xa: {  	[smem:$0x3FA8] =	sst s2  }
0xb: {  	[smem:$0x3FA9] =	sst s3  }
0xc: {  	[smem:$0x3FAA] =	sst s4  }
0xd: {  	[smem:$0x3FAB] =	sst s5  }
0xe: {  	[smem:$0x3FAC] =	sst s6  }
0xf: {  	[smem:$0x3FAD] =	sst s7  }
0x10: {  	[smem:$0x3FAE] =	sst s8  }
0x11: {  	[smem:$0x3FAF] =	sst s9;
	s0 =	simm.s32 @!p0 $0x0  }
0x12: {  	s1 =	sld [smem:$0x3F95];
	s0 =	simm.s32 @p0 $0x1  }
0x13: {  	[smem:$0x3FB0] =	sst s0;
	s0 =	simm.s32 @!p1 $0x0  }
0x14: {  	s2 =	sld [smem:$0x3F94];
	s0 =	simm.s32 @p1 $0x1  }
0x15: {  	[smem:$0x3FB1] =	sst s0;
	s0 =	simm.s32 @!p2 $0x0  }
0x16: {  	s3 =	sld [smem:$0x3FDB];
	s0 =	simm.s32 @p2 $0x1  }
0x17: {  	s4 =	simm.s32 $0x1BF5;
	[smem:$0x3FB3] =	sst s0  }
0x18: {  	s0 =	sld [smem:$0x3F96];
	_ =	swait.ge [sflag:s4], $0x0  }
0x19: {  	s7 =	sld [smem:$0x3F97]  }
0x1a: {  	s8 =	sadd.s32 $0xFFFFE003, lr  }
0x1b: {  	s9 =	sadd.s32 $0xFFFFFEF7, lr;
	s5 =	simm.s32 $0xFFFFFFFF;
	p2 =	slt.u32 s8, $0xFFFFF086  }
0x1c: {  	p1 =	slt.u32 s9, $0xF7A;
	s5 =	simm.s32 @!p2 $0x0  }
0x1d: {  	s5 =	simm.s32 @p1 $0x1;
	p0 =	seq.s32 s7, s2  }
0x1e: {  	s7 =	smul.u32 @!p0 $0xF7A, s2;
	p2 =	seq.s32 @!p0 s5, $0x0  }
0x1f: {  	s9 =	smul.u32 $0xF7A, s1;
	s8 =	simm.s32 @!p0 $0x1BF5;
	p2 =	por !p2, p0  }
0x20: {  	[sflag:s8] =	ssyncset.s32 @!p0 $0xFFFFF086;
	s6 =	sadd.s32 @!p0 s3, s7;
	s7 =	simm.s32 @!p0 $0x108  }
0x21: {  	s3 =	sadd.s32 s3, s9;
	s6 =	sadd.s32 @!p0 $0x88, s6;
	s7 =	simm.s32 @p2 $0x1082  }
0x22: {  	[simem:s7], [sflag:s8] =	dma.local @!p0 [hbm:s6], $0xF7A  }
0x23: {  	s9 =	sor.u32 $0xD0000000, s2;
	s6 =	simm.s32 $0x108;
	_ =	swait.ge @!p0 [sflag:s8], $0x0  }
0x24: {  	s3 =	sadd.s32 $0x88, s3;
	s6 =	simm.s32 @!p1 $0x1082;
	[sflag:s4] =	ssyncset.s32 $0xFFFFF086  }
0x25: {  	[simem:s6], [sflag:s4] =	dma.local [hbm:s3], $0xF7A  }
0x26: {  	[smem:$0x3F97] =	sst s1;
	(tag) =	ssettag s2;
	_ =	strace s9  }
0x27: {  	s1 =	sld [smem:$0x3FA7]  }
0x28: {  	s2 =	sld [smem:$0x3FA8]  }
0x29: {  	s4 =	sld [smem:$0x3FAA]  }
0x2a: {  	p0 =	seq.s32 s5, $0x0;
	s5 =	sld [smem:$0x3FAB]  }
0x2b: {  	s6 =	sld [smem:$0x3FAC]  }
0x2c: {  	s7 =	sld [smem:$0x3FAD]  }
0x2d: {  	s3 =	simm.s32 $0x108;
	s8 =	sld [smem:$0x3FAE]  }
0x2e: {  	s3 =	simm.s32 @!p0 $0x1082;
	s9 =	sld [smem:$0x3FAF]  }
0x2f: {  	lr =	sadd.s32 s0, s3;
	s0 =	sld [smem:$0x3FA6]  }
0x30: {  	s3 =	sld [smem:$0x3FA9]  }
0x31: {  	[smem:$0x3FB2] =	sst s10  }
0x32: {  	s10 =	sld [smem:$0x3FB0];
	_ =	sdelay $0x3  }
0x33: {  	p0 =	seq.s32 s10, $0x1;
	s10 =	sld [smem:$0x3FB2];
	_ =	sdelay $0x3  }
0x34: {  	[smem:$0x3FB2] =	sst s10  }
0x35: {  	s10 =	sld [smem:$0x3FB1];
	_ =	sdelay $0x3  }
0x36: {  	p1 =	seq.s32 s10, $0x1;
	s10 =	sld [smem:$0x3FB2];
	_ =	sdelay $0x3  }
0x37: {  	[smem:$0x3FB2] =	sst s10  }
0x38: {  	s10 =	sld [smem:$0x3FB3]  }
0x39: {  	_ = 	snop;
	(pc) =	sbr.ind lr, $3  }
0x3a: {  	_ = 	snop  }
0x3b: {  	_ = 	snop  }
0x3c: {  	p2 =	seq.s32 s10, $0x1;
	s10 =	sld [smem:$0x3FB2]  }
0x3d: {  	_ =	shalt  }
0x3e: {  	_ =	shalt  }
0x3f: {  	_ =	shalt  }
0x40: {  	_ =	shalt  }
0x41: {  	_ =	shalt  }
0x42: {  	_ =	shalt  }
0x43: {  	_ =	shalt  }
0x44: {  	_ =	shalt  }
0x45: {  	_ =	shalt  }
0x46: {  	_ =	shalt  }
0x47: {  	_ =	shalt  }
0x48: {  	_ =	shalt  }
0x49: {  	_ =	shalt  }
0x4a: {  	_ =	shalt  }
0x4b: {  	_ =	shalt  }
0x4c: {  	_ =	shalt  }
0x4d: {  	_ =	shalt  }
0x4e: {  	_ =	shalt  }
0x4f: {  	_ =	shalt  }
0x50: {  	_ =	shalt  }
0x51: {  	_ =	shalt  }
0x52: {  	_ =	shalt  }
0x53: {  	_ =	shalt  }
0x54: {  	_ =	shalt  }
0x55: {  	_ =	shalt  }
0x56: {  	_ =	shalt  }
0x57: {  	_ =	shalt  }
0x58: {  	_ =	shalt  }
0x59: {  	_ =	shalt  }
0x5a: {  	_ =	shalt  }
0x5b: {  	_ =	shalt  }
0x5c: {  	_ =	shalt  }
0x5d: {  	_ =	shalt  }
0x5e: {  	_ =	shalt  }
0x5f: {  	_ =	shalt  }
0x60: {  	_ =	shalt  }
0x61: {  	_ =	shalt  }
0x62: {  	_ =	shalt  }
0x63: {  	_ =	shalt  }
0x64: {  	_ =	shalt  }
0x65: {  	_ =	shalt  }
0x66: {  	_ =	shalt  }
0x67: {  	_ =	shalt  }
0x68: {  	_ =	shalt  }
0x69: {  	_ =	shalt  }
0x6a: {  	_ =	shalt  }
0x6b: {  	_ =	shalt  }
0x6c: {  	_ =	shalt  }
0x6d: {  	_ =	shalt  }
0x6e: {  	_ =	shalt  }
0x6f: {  	_ =	shalt  }
0x70: {  	_ =	shalt  }
0x71: {  	_ =	shalt  }
0x72: {  	_ =	shalt  }
0x73: {  	_ =	shalt  }
0x74: {  	_ =	shalt  }
0x75: {  	_ =	shalt  }
0x76: {  	_ =	shalt  }
0x77: {  	_ =	shalt  }
0x78: {  	_ =	shalt  }
0x79: {  	_ =	shalt  }
0x7a: {  	_ =	shalt  }
0x7b: {  	_ =	shalt  }
0x7c: {  	_ =	shalt  }
0x7d: {  	_ =	shalt  }
0x7e: {  	_ =	shalt  }
0x7f: {  	_ =	shalt  }
0x80: {  	_ =	shalt  }
0x81: {  	_ =	shalt  }
0x82: {  	_ =	shalt  }
0x83: {  	_ =	shalt  }
0x84: {  	_ =	shalt  }
0x85: {  	_ =	shalt  }
0x86: {  	_ =	shalt  }
0x87: {  	_ =	shalt  }
.Lfunc_end0:
.L_simem_size_0:
called_computation.2_lowered:
.L_overlay_start_0:
0x88: {  	s2 =	sld [smem:$0x3FD9]  }
0x89: {  	s3 =	sld [smem:$0x3FFE];
	_ =	sdelay $0x1  }
0x8a: {  	s1 =	srdreg.scid  }
0x8b: {  	s0 =	sand.u32 $0x1, s1  }
0x8c: {  	s17 =	sshll.u32 s0, $0xA;
	s2 =	sadd.s32 s3, s2  }
0x8d: {  	s2 =	sadd.s32 s2, s17  }
0x8e: {  	[smem:$0x3FBE] =	sst s2  }
0x8f: {  	_ = 	snop  }
0x90: {  	s2 =	sld [smem:$0x3FD0];
	(tm) =	ssettm $0x1  }
0x91: {  	s18 =	sld [smem:$0x3FFB];
	_ =	sdelay $0x3  }
0x92: {  	_ =	strace s18  }
0x93: {  	s3 =	sld [smem:$0x3FFC];
	_ =	sdelay $0x3  }
0x94: {  	_ =	strace s3  }
0x95: {  	s3 =	sld [smem:$0x3FFD];
	_ =	sdelay $0x3  }
0x96: {  	_ =	strace s3  }
0x97: {  	_ =	strace $0x8FFFFFFF  }
0x98: {  	s19 =	sld [smem:$0x3FDB];
	_ =	sdelay $0x1  }
0x99: {  	s4 =	simm.s32 $_scs_section_size  }
0x9a: {  	s5 =	simm.s32 $_size__tile_overlayer_lowered;
	s6 =	simm.s32 $_tile_overlayer_lowered  }
0x9b: {  	s22 =	simm.s32 $0x1BFF;
	s21 =	sshll.u32 s6, $0x1;
	s3 =	sadd.s32 s4, s19  }
0x9c: {  	s7 =	simm.s32 $0x0;
	s20 =	sshll.u32 s5, $0x1;
	s5 =	sadd.s32 s21, s3  }
0x9d: {  	[timem:s7], [sflag:s22] =	dma.local [hbm:s5], s20  }
0x9e: {  	_ =	swait.ge [sflag:s22], s20  }
0x9f: {  	s4 =	ssub.s32 $0x0, s20;
	[sflag:s22] =	ssyncset.done $0x0  }
0xa0: {  	[sflag:s22] =	ssyncadd.s32 s4;
	_ =	sdelay $0x1  }
0xa1: {  	s23 =	simm.s32 $0x1B8B  }
0xa2: {  	_ =	swait.ge [sflag:s23], $0x1  }
0xa3: {  	[sflag:s23] =	ssyncset.done $0x0  }
0xa4: {  	s25 =	simm.s32 $0x1B8E;
	s24 =	sld [smem:$0x3FFE];
	[sflag:s23] =	ssyncadd.s32 $0xFFFFFFFF  }
0xa5: {  	s26 =	simm.s32 $execute0_lowered;
	[smem:$0x3FD2] =	sst s25  }
0xa6: {  	s5 =	sshll.u32 s26, $0x1;
	_ =	strace $0x8000004C;
	[dreg:$0x1] =	wrdreg $0xFFFFFFFF  }
0xa7: {  	s28 =	simm.s32 $_size_execute0_lowered;
	s3 =	sadd.s32 s3, s5;
	[dreg:$0x0] =	wrdreg $0x0  }
0xa8: {  	s5 =	sshll.u32 s28, $0x1;
	[dreg:$0x2] =	wrdreg s3  }
0xa9: {  	[dreg:$0x3] =	wrdreg s5  }
0xaa: {  	[dreg:$0x4] =	wrdreg $0xC0  }
0xab: {  	_ =	task [dreg:s7], $0x5FFFF  }
0xac: {  	[dreg:$0x1] =	wrdreg $0xFFFFFFFF  }
0xad: {  	[dreg:$0x0] =	wrdreg $0x60  }
0xae: {  	[dreg:$0x2] =	wrdreg s24  }
0xaf: {  	[dreg:$0x3] =	wrdreg s2  }
0xb0: {  	[dreg:$0x4] =	wrdreg $0x28000  }
0xb1: {  	[dreg:$0x5] =	wrdreg $0x9  }
0xb2: {  	_ =	task.clear_ibuf [dreg:s7], $0x6FFFF;
	_ =	strace $0x9000004C  }
0xb3: {  	s29 =	simm.s32 $0x9;
	_ =	strace $0x8000004E  }
0xb4: {  	_ =	swait.ge [sflag:s29], $0x1  }
0xb5: {  	[sflag:s29] =	ssyncadd.s32 $0xFFFFFFFF  }
0xb6: {  	_ =	strace $0x9000004E  }
0xb7: {  	_ =	sfence  }
0xb8: {  	s30 =	sld [smem:$0x0];
	_ =	sdelay $0x2  }
0xb9: {  	s31 =	sshll.u32 s1, $0xD;
	s1 =	sshrl.u32 s1, $0x2  }
0xba: {  	s3 =	sand.u32 $0x4000, s31;
	s1 =	sadd.s32 s1, s30  }
0xbb: {  	s0 =	sor.u32 s3, s0;
	s1 =	sshll.u32 s1, $0x11  }
0xbc: {  	s0 =	sor.u32 s1, s0  }
0xbd: {  	s0 =	sadd.s32 $0x8F2B, s0  }
0xbe: {  	[sflag:s0] =	ssyncadd.remote.s32 $0x1  }
0xbf: {  	_ =	sfence.sel $0xFFFF  }
0xc0: {  	[dreg:$0x0] =	wrdreg $0xFFFFFFFF;
	(pc) =	sbr.abs _section_cstart, $3  }
0xc1: {  	[dreg:$0x1] =	wrdreg $0xFFFFFFFF  }
0xc2: {  	_ =	task.clear_ibuf [dreg:s7], $0x2FFFF;
	_ =	strace $0x9FFFFFFF  }
0xc3: {  	(tm) =	ssettm $0x7FFFFFFF  }
tec
execute0_lowered:
.L_overlay_start_1:
0x0: {  	(tag) =	ssettag $0x1  }
0x1: {  	s5 =	rddreg [dreg:$0x0]  }
0x2: {  	s0 =	srdreg.scid;
	s7 =	rddreg [dreg:$0x1]  }
0x3: {  	s2 =	rddreg [dreg:$0x2];
	s3 =	simm.s32 $0x0;
	s15 =	simm.s32 $0x16800  }
0x4: {  	s16 =	simm.s32 $0x1A800;
	s17 =	simm.s32 $0x1;
	s18 =	simm.s32 $0x2  }
0x5: {  	s19 =	simm.s32 $0x3;
	s20 =	simm.s32 $0x4;
	s21 =	simm.s32 $0x2700  }
0x6: {  	s22 =	simm.s32 $0x2780;
	s6 =	sand.u32 $0x1, s0;
	s0 =	stileid.u32  }
0x7: {  	s23 =	simm.s32 $0x0;
	[smem:$0x7FF] =	sst s3;
	s9 =	smul.u32 $0x14000, s0  }
0x8: {  	s1 =	sshll.u32 s6, $0x4;
	s10 =	smul.u32 $0x140000, s6;
	s6 =	ssub.s32 $0x2, s6  }
0x9: {  	s29 =	smul.u32 $0x50000, s0;
	s31 =	sshll.u32 s0, $0x6;
	s4 =	sor.u32 s0, s1  }
0xa: {  	s1 =	rddreg [dreg:$0x3];
	_ =	strace $0x8000004D;
	s13 =	sshrl.u32 s6, $0x1  }
0xb: {  	s8 =	smul.u32 $0x280, s4;
	s4 =	sadd.s32 $0x2EE00, s5;
	s12 =	sshrl.u32 s9, $0x3  }
0xc: {  	s9 =	sadd.s32 s9, s10;
	s13 =	ssub.s32 s6, s13;
	s30 =	sshrl.u32 s29, $0x2  }
0xd: {  	s6 =	sor.u32 $0x1C05, s31;
	s12 =	sadd.s32 s12, s5;
	s9 =	sshrl.u32 s9, $0x3  }
0xe: {  	s14 =	sadd.s32 s30, s2;
	s10 =	smax.u32 s13, $0x1;
	s13 =	simm.s32 $0x1400  }
0xf: {  	s11 =	sadd.s32 s8, s5;
	s9 =	sadd.s32 s9, s5;
	s5 =	sadd.s32 $0x1600, s12  }
0x10: {  	s7 =	sadd.s32 s7, s8;
	s12 =	simm.s32 $0x5;
	s8 =	sadd.s32 $0x29E00, s11  }
0x11: {  	s9 =	sadd.s32 $0xCEE00, s9;
	s11 =	sshrl.u32 s14, $0x3;
	s14 =	simm.s32 $0x80  }
.LBB2_1:
0x12: {  	[spmem:s11], [sflag:s6] =	dma.local [hbm:s5], $0x2800  }
0x13: {  	_ =	swait.ge [sflag:s12], $0x2800  }
0x14: {  	[sflag:s12] =	ssyncset.done $0x0  }
0x15: {  	[sflag:s12] =	ssyncadd.s32 $0xFFFFD800  }
0x16: {  	[tilespmem:s3], [sflag:$0x5] =	stream.linear.gather [hbm4b:s7+s3], $0x1400, $0x38;
	[tilespmem:$0x1E800] =	vst v63  }
0x17: {  	_ =	swait.ge [sflag:s12], $0x1400  }
0x18: {  	[sflag:s12] =	ssyncset.done $0x0  }
0x19: {  	[sflag:s12] =	ssyncadd.s32 $0xFFFFEC00  }
0x1a: {  	[tilespmem:s13], [sflag:$0x5] =	stream.linear.gather [hbm4b:s8+s3], $0x1400, $0x38;
	[tilespmem:$0x1E800] =	vst v63  }
0x1b: {  	_ =	swait.ge [sflag:s12], $0x1400  }
0x1c: {  	[sflag:s12] =	ssyncset.done $0x0  }
0x1d: {  	[sflag:s12] =	ssyncadd.s32 $0xFFFFEC00  }
0x1e: {  	[bflag:$0x0] =	sbarrier.arrive $0xFFFF  }
0x1f: {  	[tilespmem:s15], [sflag:$0x1] =	stream.indirect.gather [hbm4b:s4+s14], $0x80, s3, s14, $0xb8;
	[tilespmem:$0x1E800] =	vst v63  }
0x20: {  	_ = 	snop  }
0x21: {  	[tilespmem:s16], [sflag:$0x2] =	stream.indirect.gather [hbm4b:s4+s14], $0x80, s14, s14, $0xb8;
	[tilespmem:$0x1E800] =	vst v63  }
0x22: {  	_ =	swait.ge [sflag:s17], $0x4000  }
0x23: {  	[sflag:s17] =	ssyncset.done $0x0  }
0x24: {  	s24 =	simm.s32 $0x1400;
	[sflag:s17] =	ssyncadd.s32 $0xFFFFC000  }
0x25: {  	[spmem:s2] =	stream.indirect.scatter.add.f32 [tilespmem:s15], [sflag:$0x3], $0x80, s24, s14, $0xb8;
	[tilespmem:$0x1E800] =	vst v63  }
0x26: {  	_ =	swait.ge [sflag:s18], $0x4000  }
0x27: {  	[sflag:s18] =	ssyncset.done $0x0  }
0x28: {  	s30 =	simm.s32 $0x1480;
	[sflag:s18] =	ssyncadd.s32 $0xFFFFC000  }
0x29: {  	[spmem:s2] =	stream.indirect.scatter.add.f32 [tilespmem:s16], [sflag:$0x4], $0x80, s30, s14, $0xb8;
	[tilespmem:$0x1E800] =	vst v63  }
0x2a: {  	_ =	swait.ge [sflag:s19], $0x4000  }
0x2b: {  	[sflag:s19] =	ssyncset.done $0x0  }
0x2c: {  	s31 =	simm.s32 $0x100;
	[sflag:s19] =	ssyncadd.s32 $0xFFFFC000  }
0x2d: {  	[tilespmem:s15], [sflag:$0x1] =	stream.indirect.gather [hbm4b:s4+s14], $0x80, s31, s14, $0xb8;
	[tilespmem:$0x1E800] =	vst v63  }
0x2e: {  	_ =	swait.ge [sflag:s20], $0x4000  }
0x2f: {  	[sflag:s20] =	ssyncset.done $0x0  }
0x30: {  	s25 =	simm.s32 $0x180;
	s24 =	simm.s32 $0x400;
	[sflag:s20] =	ssyncadd.s32 $0xFFFFC000  }
.LBB2_2:
0x31: {  	[tilespmem:s16], [sflag:$0x2] =	stream.indirect.gather [hbm4b:s4+s14], $0x80, s25, s14, $0xb8;
	[tilespmem:$0x1E800] =	vst v63  }
0x32: {  	s25 =	smov.u32 s24  }
0x33: {  	p0 =	sne.s32 s24, $0x4800;
	s24 =	sadd.s32 $0x400, s24;
	_ =	swait.ge [sflag:s17], $0x4000  }
0x34: {  	s25 =	sshra.s32 s25, $0x2;
	[sflag:s17] =	ssyncset.done $0x0  }
0x35: {  	s26 =	sadd.s32 $0x1400, s25;
	[sflag:s17] =	ssyncadd.s32 $0xFFFFC000  }
0x36: {  	[spmem:s2] =	stream.indirect.scatter.add.f32 [tilespmem:s15], [sflag:$0x3], $0x80, s26, s14, $0xb8;
	[tilespmem:$0x1E800] =	vst v63  }
0x37: {  	_ =	swait.ge [sflag:s18], $0x4000  }
0x38: {  	[sflag:s18] =	ssyncset.done $0x0  }
0x39: {  	s26 =	sadd.s32 $0x1480, s25;
	[sflag:s18] =	ssyncadd.s32 $0xFFFFC000  }
0x3a: {  	[spmem:s2] =	stream.indirect.scatter.add.f32 [tilespmem:s16], [sflag:$0x4], $0x80, s26, s14, $0xb8;
	[tilespmem:$0x1E800] =	vst v63  }
0x3b: {  	_ =	swait.ge [sflag:s19], $0x4000  }
0x3c: {  	[sflag:s19] =	ssyncset.done $0x0  }
.Ltmp0:
0x3d: {  	s26 =	sadd.s32 $0x100, s25;
	[sflag:s19] =	ssyncadd.s32 $0xFFFFC000;
	(pc) =	sbr.rel @p0 .LBB2_2-.Ltmp0, $4  }
0x3e: {  	[tilespmem:s15], [sflag:$0x1] =	stream.indirect.gather [hbm4b:s4+s14], $0x80, s26, s14, $0xb8;
	[tilespmem:$0x1E800] =	vst v63  }
0x3f: {  	_ =	swait.ge [sflag:s20], $0x4000  }
0x40: {  	[sflag:s20] =	ssyncset.done $0x0  }
0x41: {  	s25 =	sadd.s32 $0x180, s25;
	[sflag:s20] =	ssyncadd.s32 $0xFFFFC000  }
0x42: {  	[tilespmem:s16], [sflag:$0x2] =	stream.indirect.gather [hbm4b:s4+s14], $0x80, s25, s14, $0xb8;
	[tilespmem:$0x1E800] =	vst v63  }
0x43: {  	_ =	swait.ge [sflag:s17], $0x4000  }
0x44: {  	[sflag:s17] =	ssyncset.done $0x0  }
0x45: {  	[sflag:s17] =	ssyncadd.s32 $0xFFFFC000  }
0x46: {  	[spmem:s2] =	stream.indirect.scatter.add.f32 [tilespmem:s15], [sflag:$0x3], $0x80, s21, s14, $0xb8;
	[tilespmem:$0x1E800] =	vst v63  }
0x47: {  	_ =	swait.ge [sflag:s18], $0x4000  }
0x48: {  	[sflag:s18] =	ssyncset.done $0x0  }
0x49: {  	[sflag:s18] =	ssyncadd.s32 $0xFFFFC000  }
0x4a: {  	[spmem:s2] =	stream.indirect.scatter.add.f32 [tilespmem:s16], [sflag:$0x4], $0x80, s22, s14, $0xb8;
	[tilespmem:$0x1E800] =	vst v63  }
0x4b: {  	_ =	swait.ge [sflag:s19], $0x4000  }
0x4c: {  	[sflag:s19] =	ssyncset.done $0x0  }
0x4d: {  	[sflag:s19] =	ssyncadd.s32 $0xFFFFC000  }
0x4e: {  	_ =	swait.ge [sflag:s20], $0x4000  }
0x4f: {  	s23 =	sadd.s32 $0x1, s23;
	[sflag:s20] =	ssyncset.done $0x0  }
0x50: {  	p0 =	sne.s32 s23, s10;
	[sflag:s20] =	ssyncadd.s32 $0xFFFFC000  }
.Ltmp1:
0x51: {  	[bflag:$0x0] =	sbarrier.arrive $0xFFFF;
	(pc) =	sbr.rel @p0 .LBB2_1-.Ltmp1, $4  }
0x52: {  	[hbm:s9], [sflag:s6] =	dma.local [spmem:s11], $0x2800  }
0x53: {  	_ =	swait.ge [sflag:s12], $0x2800  }
0x54: {  	[sflag:s12] =	ssyncset.done $0x0  }
0x55: {  	[sflag:s12] =	ssyncadd.s32 $0xFFFFD800  }
0x56: {  	_ =	sfence.sel $0x180000  }
0x57: {  	[bflag:$0x0] =	sbarrier.arrive $0xFFFF  }
0x58: {  	p0 =	sne.s32 s0, $0x0;
	_ =	strace $0x9000004D  }
0x59: {  	s0 =	sadd.s32 @!p0 $0x100000, s1;
	[bflag:$0x2] =	sbarrier.arrive $0xFFFF  }
0x5a: {  	[sflag:s0] =	ssyncadd.tile.s32 @!p0 $0x1;
	_ =	shalt  }
.Lfunc_end2:
_tile_overlayer_lowered:
.L_overlay_start_2:
0x5b: {  	(tag) =	ssettag $0x2  }
0x5c: {  	s0 =	rddreg [dreg:$0x0];
	s2 =	stileid.u32  }
0x5d: {  	s1 =	rddreg [dreg:$0x1];
	p0 =	sne.s32 s2, $0x0  }
0x5e: {  	s3 =	rddreg [dreg:$0x2];
	[bflag:$0x3] =	sbarrier.arrive $0xFFFF;
	s2 =	simm.s32 @!p0 $0x1C05  }
0x5f: {  	[timem:s3], [sflag:s2] =	dma.local @!p0 [hbm:s0], s1  }
0x60: {  	s0 =	simm.s32 @!p0 $0x5  }
0x61: {  	_ =	swait.ge @!p0 [sflag:s0], s1  }
0x62: {  	s1 =	ssub.s32 @!p0 $0x0, s1;
	[sflag:s0] =	ssyncset.done @!p0 $0x0  }
0x63: {  	[sflag:s0] =	ssyncadd.s32 @!p0 s1  }
0x64: {  	[bflag:$0x3] =	sbarrier.arrive $0xFFFF  }
0x65: {  	_ =	shalt  }

// kernel: kernel.19.cloned.1.call-start
scs
__scs_entry_jumppad:
0x0: {  	(pc) =	sbr.rel $0x88, $3  }
0x1: {  	(tag) =	ssettag $0x0;
	lr =	simm.s32 $0x1  }
0x2: {  	[smem:$0x3F97] =	sst lr;
	_ =	strace $0xD0000000  }
0x3: {  	_ = 	snop  }
0x4: {  	_ = 	snop  }
0x5: {  	_ = 	snop  }
0x6: {  	_ = 	snop  }
0x7: {  	_ = 	snop  }
__scs_overlays_trampoline_lowered:
0x8: {  	[smem:$0x3FA6] =	sst s0  }
0x9: {  	[smem:$0x3FA7] =	sst s1  }
0xa: {  	[smem:$0x3FA8] =	sst s2  }
0xb: {  	[smem:$0x3FA9] =	sst s3  }
0xc: {  	[smem:$0x3FAA] =	sst s4  }
0xd: {  	[smem:$0x3FAB] =	sst s5  }
0xe: {  	[smem:$0x3FAC] =	sst s6  }
0xf: {  	[smem:$0x3FAD] =	sst s7  }
0x10: {  	[smem:$0x3FAE] =	sst s8  }
0x11: {  	[smem:$0x3FAF] =	sst s9;
	s0 =	simm.s32 @!p0 $0x0  }
0x12: {  	s1 =	sld [smem:$0x3F95];
	s0 =	simm.s32 @p0 $0x1  }
0x13: {  	[smem:$0x3FB0] =	sst s0;
	s0 =	simm.s32 @!p1 $0x0  }
0x14: {  	s2 =	sld [smem:$0x3F94];
	s0 =	simm.s32 @p1 $0x1  }
0x15: {  	[smem:$0x3FB1] =	sst s0;
	s0 =	simm.s32 @!p2 $0x0  }
0x16: {  	s3 =	sld [smem:$0x3FDB];
	s0 =	simm.s32 @p2 $0x1  }
0x17: {  	s4 =	simm.s32 $0x1BF5;
	[smem:$0x3FB3] =	sst s0  }
0x18: {  	s0 =	sld [smem:$0x3F96];
	_ =	swait.ge [sflag:s4], $0x0  }
0x19: {  	s7 =	sld [smem:$0x3F97]  }
0x1a: {  	s8 =	sadd.s32 $0xFFFFE003, lr  }
0x1b: {  	s9 =	sadd.s32 $0xFFFFFEF7, lr;
	s5 =	simm.s32 $0xFFFFFFFF;
	p2 =	slt.u32 s8, $0xFFFFF086  }
0x1c: {  	p1 =	slt.u32 s9, $0xF7A;
	s5 =	simm.s32 @!p2 $0x0  }
0x1d: {  	s5 =	simm.s32 @p1 $0x1;
	p0 =	seq.s32 s7, s2  }
0x1e: {  	s7 =	smul.u32 @!p0 $0xF7A, s2;
	p2 =	seq.s32 @!p0 s5, $0x0  }
0x1f: {  	s9 =	smul.u32 $0xF7A, s1;
	s8 =	simm.s32 @!p0 $0x1BF5;
	p2 =	por !p2, p0  }
0x20: {  	[sflag:s8] =	ssyncset.s32 @!p0 $0xFFFFF086;
	s6 =	sadd.s32 @!p0 s3, s7;
	s7 =	simm.s32 @!p0 $0x108  }
0x21: {  	s3 =	sadd.s32 s3, s9;
	s6 =	sadd.s32 @!p0 $0x88, s6;
	s7 =	simm.s32 @p2 $0x1082  }
0x22: {  	[simem:s7], [sflag:s8] =	dma.local @!p0 [hbm:s6], $0xF7A  }
0x23: {  	s9 =	sor.u32 $0xD0000000, s2;
	s6 =	simm.s32 $0x108;
	_ =	swait.ge @!p0 [sflag:s8], $0x0  }
0x24: {  	s3 =	sadd.s32 $0x88, s3;
	s6 =	simm.s32 @!p1 $0x1082;
	[sflag:s4] =	ssyncset.s32 $0xFFFFF086  }
0x25: {  	[simem:s6], [sflag:s4] =	dma.local [hbm:s3], $0xF7A  }
0x26: {  	[smem:$0x3F97] =	sst s1;
	(tag) =	ssettag s2;
	_ =	strace s9  }
0x27: {  	s1 =	sld [smem:$0x3FA7]  }
0x28: {  	s2 =	sld [smem:$0x3FA8]  }
0x29: {  	s4 =	sld [smem:$0x3FAA]  }
0x2a: {  	p0 =	seq.s32 s5, $0x0;
	s5 =	sld [smem:$0x3FAB]  }
0x2b: {  	s6 =	sld [smem:$0x3FAC]  }
0x2c: {  	s7 =	sld [smem:$0x3FAD]  }
0x2d: {  	s3 =	simm.s32 $0x108;
	s8 =	sld [smem:$0x3FAE]  }
0x2e: {  	s3 =	simm.s32 @!p0 $0x1082;
	s9 =	sld [smem:$0x3FAF]  }
0x2f: {  	lr =	sadd.s32 s0, s3;
	s0 =	sld [smem:$0x3FA6]  }
0x30: {  	s3 =	sld [smem:$0x3FA9]  }
0x31: {  	[smem:$0x3FB2] =	sst s10  }
0x32: {  	s10 =	sld [smem:$0x3FB0];
	_ =	sdelay $0x3  }
0x33: {  	p0 =	seq.s32 s10, $0x1;
	s10 =	sld [smem:$0x3FB2];
	_ =	sdelay $0x3  }
0x34: {  	[smem:$0x3FB2] =	sst s10  }
0x35: {  	s10 =	sld [smem:$0x3FB1];
	_ =	sdelay $0x3  }
0x36: {  	p1 =	seq.s32 s10, $0x1;
	s10 =	sld [smem:$0x3FB2];
	_ =	sdelay $0x3  }
0x37: {  	[smem:$0x3FB2] =	sst s10  }
0x38: {  	s10 =	sld [smem:$0x3FB3]  }
0x39: {  	_ = 	snop;
	(pc) =	sbr.ind lr, $3  }
0x3a: {  	_ = 	snop  }
0x3b: {  	_ = 	snop  }
0x3c: {  	p2 =	seq.s32 s10, $0x1;
	s10 =	sld [smem:$0x3FB2]  }
0x3d: {  	_ =	shalt  }
0x3e: {  	_ =	shalt  }
0x3f: {  	_ =	shalt  }
0x40: {  	_ =	shalt  }
0x41: {  	_ =	shalt  }
0x42: {  	_ =	shalt  }
0x43: {  	_ =	shalt  }
0x44: {  	_ =	shalt  }
0x45: {  	_ =	shalt  }
0x46: {  	_ =	shalt  }
0x47: {  	_ =	shalt  }
0x48: {  	_ =	shalt  }
0x49: {  	_ =	shalt  }
0x4a: {  	_ =	shalt  }
0x4b: {  	_ =	shalt  }
0x4c: {  	_ =	shalt  }
0x4d: {  	_ =	shalt  }
0x4e: {  	_ =	shalt  }
0x4f: {  	_ =	shalt  }
0x50: {  	_ =	shalt  }
0x51: {  	_ =	shalt  }
0x52: {  	_ =	shalt  }
0x53: {  	_ =	shalt  }
0x54: {  	_ =	shalt  }
0x55: {  	_ =	shalt  }
0x56: {  	_ =	shalt  }
0x57: {  	_ =	shalt  }
0x58: {  	_ =	shalt  }
0x59: {  	_ =	shalt  }
0x5a: {  	_ =	shalt  }
0x5b: {  	_ =	shalt  }
0x5c: {  	_ =	shalt  }
0x5d: {  	_ =	shalt  }
0x5e: {  	_ =	shalt  }
0x5f: {  	_ =	shalt  }
0x60: {  	_ =	shalt  }
0x61: {  	_ =	shalt  }
0x62: {  	_ =	shalt  }
0x63: {  	_ =	shalt  }
0x64: {  	_ =	shalt  }
0x65: {  	_ =	shalt  }
0x66: {  	_ =	shalt  }
0x67: {  	_ =	shalt  }
0x68: {  	_ =	shalt  }
0x69: {  	_ =	shalt  }
0x6a: {  	_ =	shalt  }
0x6b: {  	_ =	shalt  }
0x6c: {  	_ =	shalt  }
0x6d: {  	_ =	shalt  }
0x6e: {  	_ =	shalt  }
0x6f: {  	_ =	shalt  }
0x70: {  	_ =	shalt  }
0x71: {  	_ =	shalt  }
0x72: {  	_ =	shalt  }
0x73: {  	_ =	shalt  }
0x74: {  	_ =	shalt  }
0x75: {  	_ =	shalt  }
0x76: {  	_ =	shalt  }
0x77: {  	_ =	shalt  }
0x78: {  	_ =	shalt  }
0x79: {  	_ =	shalt  }
0x7a: {  	_ =	shalt  }
0x7b: {  	_ =	shalt  }
0x7c: {  	_ =	shalt  }
0x7d: {  	_ =	shalt  }
0x7e: {  	_ =	shalt  }
0x7f: {  	_ =	shalt  }
0x80: {  	_ =	shalt  }
0x81: {  	_ =	shalt  }
0x82: {  	_ =	shalt  }
0x83: {  	_ =	shalt  }
0x84: {  	_ =	shalt  }
0x85: {  	_ =	shalt  }
0x86: {  	_ =	shalt  }
0x87: {  	_ =	shalt  }
.Lfunc_end0:
.L_simem_size_0:
called_computation.3_lowered:
.L_overlay_start_0:
0x88: {  	s2 =	sld [smem:$0x3FD9]  }
0x89: {  	s3 =	sld [smem:$0x3FFE];
	_ =	sdelay $0x1  }
0x8a: {  	s1 =	srdreg.scid  }
0x8b: {  	s0 =	sand.u32 $0x1, s1  }
0x8c: {  	s17 =	sshll.u32 s0, $0xA;
	s2 =	sadd.s32 s3, s2  }
0x8d: {  	s2 =	sadd.s32 s2, s17  }
0x8e: {  	[smem:$0x3FBE] =	sst s2  }
0x8f: {  	_ = 	snop  }
0x90: {  	s2 =	sld [smem:$0x3FD0];
	(tm) =	ssettm $0x1  }
0x91: {  	s18 =	sld [smem:$0x3FFB];
	_ =	sdelay $0x3  }
0x92: {  	_ =	strace s18  }
0x93: {  	s3 =	sld [smem:$0x3FFC];
	_ =	sdelay $0x3  }
0x94: {  	_ =	strace s3  }
0x95: {  	s3 =	sld [smem:$0x3FFD];
	_ =	sdelay $0x3  }
0x96: {  	_ =	strace s3  }
0x97: {  	_ =	strace $0x8FFFFFFF  }
0x98: {  	s19 =	sld [smem:$0x3FDB];
	_ =	sdelay $0x1  }
0x99: {  	s4 =	simm.s32 $_scs_section_size  }
0x9a: {  	s5 =	simm.s32 $_size__tile_overlayer_lowered;
	s6 =	simm.s32 $_tile_overlayer_lowered  }
0x9b: {  	s22 =	simm.s32 $0x1BFF;
	s21 =	sshll.u32 s6, $0x1;
	s3 =	sadd.s32 s4, s19  }
0x9c: {  	s7 =	simm.s32 $0x0;
	s20 =	sshll.u32 s5, $0x1;
	s5 =	sadd.s32 s21, s3  }
0x9d: {  	[timem:s7], [sflag:s22] =	dma.local [hbm:s5], s20  }
0x9e: {  	_ =	swait.ge [sflag:s22], s20  }
0x9f: {  	s4 =	ssub.s32 $0x0, s20;
	[sflag:s22] =	ssyncset.done $0x0  }
0xa0: {  	[sflag:s22] =	ssyncadd.s32 s4;
	_ =	sdelay $0x1  }
0xa1: {  	s23 =	simm.s32 $0x1B8B  }
0xa2: {  	_ =	swait.ge [sflag:s23], $0x1  }
0xa3: {  	[sflag:s23] =	ssyncset.done $0x0  }
0xa4: {  	s25 =	simm.s32 $0x1B8E;
	s24 =	sld [smem:$0x3FFE];
	[sflag:s23] =	ssyncadd.s32 $0xFFFFFFFF  }
0xa5: {  	s26 =	simm.s32 $execute0_lowered;
	[smem:$0x3FD2] =	sst s25  }
0xa6: {  	s5 =	sshll.u32 s26, $0x1;
	_ =	strace $0x8000004F;
	[dreg:$0x1] =	wrdreg $0xFFFFFFFF  }
0xa7: {  	s28 =	simm.s32 $_size_execute0_lowered;
	s3 =	sadd.s32 s3, s5;
	[dreg:$0x0] =	wrdreg $0x0  }
0xa8: {  	s5 =	sshll.u32 s28, $0x1;
	[dreg:$0x2] =	wrdreg s3  }
0xa9: {  	[dreg:$0x3] =	wrdreg s5  }
0xaa: {  	[dreg:$0x4] =	wrdreg $0xC0  }
0xab: {  	_ =	task [dreg:s7], $0x5FFFF  }
0xac: {  	[dreg:$0x1] =	wrdreg $0xFFFFFFFF  }
0xad: {  	[dreg:$0x0] =	wrdreg $0x60  }
0xae: {  	[dreg:$0x2] =	wrdreg s24  }
0xaf: {  	[dreg:$0x3] =	wrdreg s2  }
0xb0: {  	[dreg:$0x4] =	wrdreg $0x28000  }
0xb1: {  	[dreg:$0x5] =	wrdreg $0x9  }
0xb2: {  	_ =	task.clear_ibuf [dreg:s7], $0x6FFFF;
	_ =	strace $0x9000004F  }
0xb3: {  	s29 =	simm.s32 $0x9;
	_ =	strace $0x80000051  }
0xb4: {  	_ =	swait.ge [sflag:s29], $0x1  }
0xb5: {  	[sflag:s29] =	ssyncadd.s32 $0xFFFFFFFF  }
0xb6: {  	_ =	strace $0x90000051  }
0xb7: {  	_ =	sfence  }
0xb8: {  	s30 =	sld [smem:$0x0];
	_ =	sdelay $0x2  }
0xb9: {  	s31 =	sshll.u32 s1, $0xD;
	s1 =	sshrl.u32 s1, $0x2  }
0xba: {  	s3 =	sand.u32 $0x4000, s31;
	s1 =	sadd.s32 s1, s30  }
0xbb: {  	s0 =	sor.u32 s3, s0;
	s1 =	sshll.u32 s1, $0x11  }
0xbc: {  	s0 =	sor.u32 s1, s0  }
0xbd: {  	s0 =	sadd.s32 $0x8F2B, s0  }
0xbe: {  	[sflag:s0] =	ssyncadd.remote.s32 $0x1  }
0xbf: {  	_ =	sfence.sel $0xFFFF  }
0xc0: {  	[dreg:$0x0] =	wrdreg $0xFFFFFFFF;
	(pc) =	sbr.abs _section_cstart, $3  }
0xc1: {  	[dreg:$0x1] =	wrdreg $0xFFFFFFFF  }
0xc2: {  	_ =	task.clear_ibuf [dreg:s7], $0x2FFFF;
	_ =	strace $0x9FFFFFFF  }
0xc3: {  	(tm) =	ssettm $0x7FFFFFFF  }
tec
execute0_lowered:
.L_overlay_start_1:
0x0: {  	(tag) =	ssettag $0x1  }
0x1: {  	s5 =	rddreg [dreg:$0x0]  }
0x2: {  	s0 =	srdreg.scid;
	s7 =	rddreg [dreg:$0x1]  }
0x3: {  	s2 =	rddreg [dreg:$0x2];
	s3 =	simm.s32 $0x0;
	s15 =	simm.s32 $0x16800  }
0x4: {  	s16 =	simm.s32 $0x1A800;
	s17 =	simm.s32 $0x1;
	s18 =	simm.s32 $0x2  }
0x5: {  	s19 =	simm.s32 $0x3;
	s20 =	simm.s32 $0x4;
	s21 =	simm.s32 $0x2700  }
0x6: {  	s22 =	simm.s32 $0x2780;
	s6 =	sand.u32 $0x1, s0;
	s0 =	stileid.u32  }
0x7: {  	s23 =	simm.s32 $0x0;
	[smem:$0x7FF] =	sst s3;
	s9 =	smul.u32 $0x14000, s0  }
0x8: {  	s1 =	sshll.u32 s6, $0x4;
	s10 =	smul.u32 $0x140000, s6;
	s6 =	ssub.s32 $0x2, s6  }
0x9: {  	s29 =	smul.u32 $0x50000, s0;
	s31 =	sshll.u32 s0, $0x6;
	s4 =	sor.u32 s0, s1  }
0xa: {  	s1 =	rddreg [dreg:$0x3];
	_ =	strace $0x80000050;
	s13 =	sshrl.u32 s6, $0x1  }
0xb: {  	s8 =	smul.u32 $0x280, s4;
	s4 =	sadd.s32 $0x2EE00, s5;
	s12 =	sshrl.u32 s9, $0x3  }
0xc: {  	s9 =	sadd.s32 s9, s10;
	s13 =	ssub.s32 s6, s13;
	s30 =	sshrl.u32 s29, $0x2  }
0xd: {  	s6 =	sor.u32 $0x1C05, s31;
	s12 =	sadd.s32 s12, s5;
	s9 =	sshrl.u32 s9, $0x3  }
0xe: {  	s14 =	sadd.s32 s30, s2;
	s10 =	smax.u32 s13, $0x1;
	s13 =	simm.s32 $0x1400  }
0xf: {  	s11 =	sadd.s32 s8, s5;
	s9 =	sadd.s32 s9, s5;
	s5 =	sadd.s32 $0x1600, s12  }
0x10: {  	s7 =	sadd.s32 s7, s8;
	s12 =	simm.s32 $0x5;
	s8 =	sadd.s32 $0x29E00, s11  }
0x11: {  	s9 =	sadd.s32 $0xCEE00, s9;
	s11 =	sshrl.u32 s14, $0x3;
	s14 =	simm.s32 $0x80  }
.LBB2_1:
0x12: {  	[spmem:s11], [sflag:s6] =	dma.local [hbm:s5], $0x2800  }
0x13: {  	_ =	swait.ge [sflag:s12], $0x2800  }
0x14: {  	[sflag:s12] =	ssyncset.done $0x0  }
0x15: {  	[sflag:s12] =	ssyncadd.s32 $0xFFFFD800  }
0x16: {  	[tilespmem:s3], [sflag:$0x5] =	stream.linear.gather [hbm4b:s7+s3], $0x1400, $0x38;
	[tilespmem:$0x1E800] =	vst v63  }
0x17: {  	_ =	swait.ge [sflag:s12], $0x1400  }
0x18: {  	[sflag:s12] =	ssyncset.done $0x0  }
0x19: {  	[sflag:s12] =	ssyncadd.s32 $0xFFFFEC00  }
0x1a: {  	[tilespmem:s13], [sflag:$0x5] =	stream.linear.gather [hbm4b:s8+s3], $0x1400, $0x38;
	[tilespmem:$0x1E800] =	vst v63  }
0x1b: {  	_ =	swait.ge [sflag:s12], $0x1400  }
0x1c: {  	[sflag:s12] =	ssyncset.done $0x0  }
0x1d: {  	[sflag:s12] =	ssyncadd.s32 $0xFFFFEC00  }
0x1e: {  	[bflag:$0x0] =	sbarrier.arrive $0xFFFF  }
0x1f: {  	[tilespmem:s15], [sflag:$0x1] =	stream.indirect.gather [hbm4b:s4+s14], $0x80, s3, s14, $0xb8;
	[tilespmem:$0x1E800] =	vst v63  }
0x20: {  	_ = 	snop  }
0x21: {  	[tilespmem:s16], [sflag:$0x2] =	stream.indirect.gather [hbm4b:s4+s14], $0x80, s14, s14, $0xb8;
	[tilespmem:$0x1E800] =	vst v63  }
0x22: {  	_ =	swait.ge [sflag:s17], $0x4000  }
0x23: {  	[sflag:s17] =	ssyncset.done $0x0  }
0x24: {  	s24 =	simm.s32 $0x1400;
	[sflag:s17] =	ssyncadd.s32 $0xFFFFC000  }
0x25: {  	[spmem:s2] =	stream.indirect.scatter.add.f32 [tilespmem:s15], [sflag:$0x3], $0x80, s24, s14, $0xb8;
	[tilespmem:$0x1E800] =	vst v63  }
0x26: {  	_ =	swait.ge [sflag:s18], $0x4000  }
0x27: {  	[sflag:s18] =	ssyncset.done $0x0  }
0x28: {  	s30 =	simm.s32 $0x1480;
	[sflag:s18] =	ssyncadd.s32 $0xFFFFC000  }
0x29: {  	[spmem:s2] =	stream.indirect.scatter.add.f32 [tilespmem:s16], [sflag:$0x4], $0x80, s30, s14, $0xb8;
	[tilespmem:$0x1E800] =	vst v63  }
0x2a: {  	_ =	swait.ge [sflag:s19], $0x4000  }
0x2b: {  	[sflag:s19] =	ssyncset.done $0x0  }
0x2c: {  	s31 =	simm.s32 $0x100;
	[sflag:s19] =	ssyncadd.s32 $0xFFFFC000  }
0x2d: {  	[tilespmem:s15], [sflag:$0x1] =	stream.indirect.gather [hbm4b:s4+s14], $0x80, s31, s14, $0xb8;
	[tilespmem:$0x1E800] =	vst v63  }
0x2e: {  	_ =	swait.ge [sflag:s20], $0x4000  }
0x2f: {  	[sflag:s20] =	ssyncset.done $0x0  }
0x30: {  	s25 =	simm.s32 $0x180;
	s24 =	simm.s32 $0x400;
	[sflag:s20] =	ssyncadd.s32 $0xFFFFC000  }
.LBB2_2:
0x31: {  	[tilespmem:s16], [sflag:$0x2] =	stream.indirect.gather [hbm4b:s4+s14], $0x80, s25, s14, $0xb8;
	[tilespmem:$0x1E800] =	vst v63  }
0x32: {  	s25 =	smov.u32 s24  }
0x33: {  	p0 =	sne.s32 s24, $0x4800;
	s24 =	sadd.s32 $0x400, s24;
	_ =	swait.ge [sflag:s17], $0x4000  }
0x34: {  	s25 =	sshra.s32 s25, $0x2;
	[sflag:s17] =	ssyncset.done $0x0  }
0x35: {  	s26 =	sadd.s32 $0x1400, s25;
	[sflag:s17] =	ssyncadd.s32 $0xFFFFC000  }
0x36: {  	[spmem:s2] =	stream.indirect.scatter.add.f32 [tilespmem:s15], [sflag:$0x3], $0x80, s26, s14, $0xb8;
	[tilespmem:$0x1E800] =	vst v63  }
0x37: {  	_ =	swait.ge [sflag:s18], $0x4000  }
0x38: {  	[sflag:s18] =	ssyncset.done $0x0  }
0x39: {  	s26 =	sadd.s32 $0x1480, s25;
	[sflag:s18] =	ssyncadd.s32 $0xFFFFC000  }
0x3a: {  	[spmem:s2] =	stream.indirect.scatter.add.f32 [tilespmem:s16], [sflag:$0x4], $0x80, s26, s14, $0xb8;
	[tilespmem:$0x1E800] =	vst v63  }
0x3b: {  	_ =	swait.ge [sflag:s19], $0x4000  }
0x3c: {  	[sflag:s19] =	ssyncset.done $0x0  }
.Ltmp0:
0x3d: {  	s26 =	sadd.s32 $0x100, s25;
	[sflag:s19] =	ssyncadd.s32 $0xFFFFC000;
	(pc) =	sbr.rel @p0 .LBB2_2-.Ltmp0, $4  }
0x3e: {  	[tilespmem:s15], [sflag:$0x1] =	stream.indirect.gather [hbm4b:s4+s14], $0x80, s26, s14, $0xb8;
	[tilespmem:$0x1E800] =	vst v63  }
0x3f: {  	_ =	swait.ge [sflag:s20], $0x4000  }
0x40: {  	[sflag:s20] =	ssyncset.done $0x0  }
0x41: {  	s25 =	sadd.s32 $0x180, s25;
	[sflag:s20] =	ssyncadd.s32 $0xFFFFC000  }
0x42: {  	[tilespmem:s16], [sflag:$0x2] =	stream.indirect.gather [hbm4b:s4+s14], $0x80, s25, s14, $0xb8;
	[tilespmem:$0x1E800] =	vst v63  }
0x43: {  	_ =	swait.ge [sflag:s17], $0x4000  }
0x44: {  	[sflag:s17] =	ssyncset.done $0x0  }
0x45: {  	[sflag:s17] =	ssyncadd.s32 $0xFFFFC000  }
0x46: {  	[spmem:s2] =	stream.indirect.scatter.add.f32 [tilespmem:s15], [sflag:$0x3], $0x80, s21, s14, $0xb8;
	[tilespmem:$0x1E800] =	vst v63  }
0x47: {  	_ =	swait.ge [sflag:s18], $0x4000  }
0x48: {  	[sflag:s18] =	ssyncset.done $0x0  }
0x49: {  	[sflag:s18] =	ssyncadd.s32 $0xFFFFC000  }
0x4a: {  	[spmem:s2] =	stream.indirect.scatter.add.f32 [tilespmem:s16], [sflag:$0x4], $0x80, s22, s14, $0xb8;
	[tilespmem:$0x1E800] =	vst v63  }
0x4b: {  	_ =	swait.ge [sflag:s19], $0x4000  }
0x4c: {  	[sflag:s19] =	ssyncset.done $0x0  }
0x4d: {  	[sflag:s19] =	ssyncadd.s32 $0xFFFFC000  }
0x4e: {  	_ =	swait.ge [sflag:s20], $0x4000  }
0x4f: {  	s23 =	sadd.s32 $0x1, s23;
	[sflag:s20] =	ssyncset.done $0x0  }
0x50: {  	p0 =	sne.s32 s23, s10;
	[sflag:s20] =	ssyncadd.s32 $0xFFFFC000  }
.Ltmp1:
0x51: {  	[bflag:$0x0] =	sbarrier.arrive $0xFFFF;
	(pc) =	sbr.rel @p0 .LBB2_1-.Ltmp1, $4  }
0x52: {  	[hbm:s9], [sflag:s6] =	dma.local [spmem:s11], $0x2800  }
0x53: {  	_ =	swait.ge [sflag:s12], $0x2800  }
0x54: {  	[sflag:s12] =	ssyncset.done $0x0  }
0x55: {  	[sflag:s12] =	ssyncadd.s32 $0xFFFFD800  }
0x56: {  	_ =	sfence.sel $0x180000  }
0x57: {  	[bflag:$0x0] =	sbarrier.arrive $0xFFFF  }
0x58: {  	p0 =	sne.s32 s0, $0x0;
	_ =	strace $0x90000050  }
0x59: {  	s0 =	sadd.s32 @!p0 $0x100000, s1;
	[bflag:$0x2] =	sbarrier.arrive $0xFFFF  }
0x5a: {  	[sflag:s0] =	ssyncadd.tile.s32 @!p0 $0x1;
	_ =	shalt  }
.Lfunc_end2:
_tile_overlayer_lowered:
.L_overlay_start_2:
0x5b: {  	(tag) =	ssettag $0x2  }
0x5c: {  	s0 =	rddreg [dreg:$0x0];
	s2 =	stileid.u32  }
0x5d: {  	s1 =	rddreg [dreg:$0x1];
	p0 =	sne.s32 s2, $0x0  }
0x5e: {  	s3 =	rddreg [dreg:$0x2];
	[bflag:$0x3] =	sbarrier.arrive $0xFFFF;
	s2 =	simm.s32 @!p0 $0x1C05  }
0x5f: {  	[timem:s3], [sflag:s2] =	dma.local @!p0 [hbm:s0], s1  }
0x60: {  	s0 =	simm.s32 @!p0 $0x5  }
0x61: {  	_ =	swait.ge @!p0 [sflag:s0], s1  }
0x62: {  	s1 =	ssub.s32 @!p0 $0x0, s1;
	[sflag:s0] =	ssyncset.done @!p0 $0x0  }
0x63: {  	[sflag:s0] =	ssyncadd.s32 @!p0 s1  }
0x64: {  	[bflag:$0x3] =	sbarrier.arrive $0xFFFF  }
0x65: {  	_ =	shalt  }

</sc_bundles>
